<compile_context>
chip_gen: v7x
topology: tpu7x:2x2x1
jax: 0.10.2.dev20260603
libtpu: 0.0.44.dev20260713+nightly
codegen_flags: <defaults>
</compile_context>

<pallas_src>
import functools

import jax
import jax.numpy as jnp
from jax import lax
from jax.experimental import pallas as pl
from jax.experimental.pallas import tpu as pltpu
from jax.experimental.pallas import tpu_sc as plsc

_SUB = 2
_L = 16
_NC = 2
_NS = 16
_NW = _NC * _NS


def kernel(coords, input_feat, seps):
    N, D = input_feat.shape
    R = N // _SUB
    B = seps.shape[0]
    assert N % (_SUB * _NW) == 0 and D % _L == 0 and B == _L

    in_rows = N // _NW
    FC = 128
    n_chunks = 2 * (-(-in_rows // (2 * FC)))
    max_start = in_rows - FC
    assert max_start % 16 == 0

    CROWS = 5120
    assert CROWS % 128 == 0 and (R - CROWS) % 128 == 0

    upt = N // _NW
    uvecs = upt // _L

    mesh = plsc.VectorSubcoreMesh(
        core_axis_name="c", subcore_axis_name="s",
        num_cores=_NC, num_subcores=_NS)

    @functools.partial(
        pl.kernel,
        out_type=[
            jax.ShapeDtypeStruct((R, D), jnp.float32),
            jax.ShapeDtypeStruct((3, R), jnp.float32),
            jax.ShapeDtypeStruct((B,), jnp.int32),
            jax.ShapeDtypeStruct((N,), jnp.int32),
        ],
        mesh=mesh,
        scratch_types=[
            pltpu.VMEM((FC, D), jnp.float32),
            pltpu.VMEM((FC, D), jnp.float32),
            pltpu.VMEM((FC // 2, D), jnp.float32),
            pltpu.VMEM((FC // 2, D), jnp.float32),
            pltpu.VMEM((3, 2 * CROWS), jnp.float32),
            pltpu.VMEM((3, CROWS), jnp.float32),
            pltpu.VMEM((upt,), jnp.int32),
            pltpu.VMEM((_L,), jnp.int32),
            pltpu.SemaphoreType.DMA,
            pltpu.SemaphoreType.DMA,
            pltpu.SemaphoreType.DMA,
            pltpu.SemaphoreType.DMA,
        ],
    )
    def sc_kernel(feat_hbm, ct_hbm, seps_hbm,
                  out_feat, out_coord_t, out_sep, out_unpool,
                  fin0, fin1, fout0, fout1, colin, colout, ubuf, sbuf,
                  si0, si1, so0, so1):
        wid = lax.axis_index("s") * _NC + lax.axis_index("c")
        iota = lax.iota(jnp.int32, _L)

        row0 = wid * in_rows
        n_pairs = n_chunks // 2

        def r_in(g):
            r = row0 + jnp.minimum(g * FC, max_start)
            return pl.multiple_of(r, 16)

        def in_slice(g):
            return feat_hbm.at[pl.ds(r_in(g), FC), :]

        def out_slice(g):
            r2 = lax.shift_right_logical(r_in(g), 1)
            return out_feat.at[pl.ds(pl.multiple_of(r2, 8), FC // 2), :]

        def compute(fin, fout):
            @pl.loop(0, FC // 2)
            def _row(r):
                for q in range(D // _L):
                    a = fin[2 * r, pl.ds(q * _L, _L)]
                    b = fin[2 * r + 1, pl.ds(q * _L, _L)]
                    fout[r, pl.ds(q * _L, _L)] = jnp.maximum(a, b)

        pltpu.async_copy(in_slice(0), fin0, si0)
        pltpu.async_copy(in_slice(1), fin1, si1)

        @pl.loop(0, n_pairs)
        def _feat(gg):
            g0 = gg * 2
            for (b, fin, fout, si, so) in ((0, fin0, fout0, si0, so0),
                                           (1, fin1, fout1, si1, so1)):
                @pl.when(gg > 0)
                def _():
                    pltpu.make_async_copy(fout, out_slice(b), so).wait()

                pltpu.make_async_copy(in_slice(b), fin, si).wait()
                compute(fin, fout)
                pltpu.async_copy(fout, out_slice(g0 + b), so)

                @pl.when(gg + 1 < n_pairs)
                def _():
                    pltpu.async_copy(in_slice(g0 + b + 2), fin, si)

        pltpu.make_async_copy(fout0, out_slice(0), so0).wait()
        pltpu.make_async_copy(fout1, out_slice(1), so1).wait()

        orow0 = pl.multiple_of(jnp.minimum(wid * CROWS, R - CROWS), 128)

        def permute(vec, lane_idx):
            return lax.gather(
                vec, lane_idx[:, None],
                lax.GatherDimensionNumbers(offset_dims=(),
                                           collapsed_slice_dims=(0,),
                                           start_index_map=(0,)),
                (1,), mode=lax.GatherScatterMode.PROMISE_IN_BOUNDS)

        idx_e = jnp.bitwise_and(iota * 2, _L - 1)
        hi = iota >= (_L // 2)

        pltpu.sync_copy(ct_hbm.at[:, pl.ds(2 * orow0, 2 * CROWS)], colin)

        @pl.loop(0, CROWS // _L)
        def _col(v):
            for c in range(3):
                v0 = colin[c, pl.ds(2 * _L * v, _L)]
                v1 = colin[c, pl.ds(2 * _L * v + _L, _L)]
                a = jnp.where(hi, permute(v1, idx_e), permute(v0, idx_e))
                b = jnp.where(hi, permute(v1, idx_e + 1),
                              permute(v0, idx_e + 1))
                colout[c, pl.ds(_L * v, _L)] = (a + b) * 0.5

        pltpu.sync_copy(colout, out_coord_t.at[:, pl.ds(orow0, CROWS)])

        half = lax.shift_right_logical(iota, 1)
        u0 = wid * (upt // 2)

        @pl.loop(0, uvecs)
        def _unpool(v):
            ubuf[pl.ds(v * _L, _L)] = u0 + v * (_L // 2) + half

        pltpu.sync_copy(ubuf, out_unpool.at[pl.ds(wid * upt, upt)])

        @pl.when(wid == 0)
        def _sep():
            pltpu.sync_copy(seps_hbm, sbuf)
            sbuf[...] = lax.shift_right_logical(sbuf[...] + 1, 1)
            pltpu.sync_copy(sbuf, out_sep)

    rf, rct, rs, ui = sc_kernel(input_feat, coords.T, seps)
    return rf, rct.T, rs, ui

# --- scband reference (transcript-rebuilt; emitter-appended) ---
"""Pipeline reference for scband-inbucket-pooling-layer-12627203851166 (READ-ONLY COPY).

The authoritative reference and input builder live on the scoring server;
editing this copy changes nothing except your own understanding.
"""

import jax, jax.numpy as jnp
import numpy as np

SUBBUCK_SIZE = 2


def setup_inputs(seed: int = 0) -> dict:
    key = jax.random.key(seed)
    k1, k2, k3 = jax.random.split(key, 3)
    N = 320000
    D = 128
    B = 16
    coords = jax.random.normal(k1, (N, 3), dtype=jnp.float32)
    input_feat = jax.random.normal(k2, (N, D), dtype=jnp.float32)
    seps = jnp.sort(jax.random.randint(k3, (B,), 0, N, dtype=jnp.int32))
    return {"coords": coords, "input_feat": input_feat, "seps": seps}


def reference(coords, input_feat, seps):
    # InbucketPoolingLayer with subbuck_size=2, reduction_op='max' (O_MAX=3).
    # Points are grouped into subbuckets of SUBBUCK_SIZE consecutive slots; the
    # feature reduction over each subbucket is a segment-max. unpool_ind records,
    # for every input point, the reduced slot it was pooled into (used by the
    # backward pass / later unpooling layers). reduced_coord is the pooled
    # coordinate per subbucket; reduced_sep is seps rescaled to the pooled
    # resolution.
    N = input_feat.shape[0]
    reduced_N = N // SUBBUCK_SIZE
    subbuck_id = (jnp.arange(N, dtype=jnp.int32) // SUBBUCK_SIZE).astype(jnp.int32)
    reduced_feat = jax.ops.segment_max(input_feat, subbuck_id, num_segments=reduced_N)
    reduced_coord = jax.ops.segment_sum(coords, subbuck_id, num_segments=reduced_N) / float(SUBBUCK_SIZE)
    reduced_sep = (seps + SUBBUCK_SIZE - 1) // SUBBUCK_SIZE
    unpool_ind = subbuck_id
    return (reduced_feat, reduced_coord, reduced_sep, unpool_ind)

if __name__ == "__main__":
    import jax
    _d = setup_inputs()
    print(jax.jit(kernel)(*tuple(_d.values())))

</pallas_src>

<mosaic_0001>
#map = affine_map<(d0, d1) -> (0, 0)>
#map1 = affine_map<(d0, d1) -> (0)>
module attributes {stable_mosaic.version = 14 : i64} {
  func.func @sc_kernel(%arg0: i32, %arg1: i32, %arg2: memref<320000x128xf32, #tpu.memory_space<hbm>>, %arg3: memref<3x320000xf32, #tpu.memory_space<hbm>>, %arg4: memref<16xi32, #tpu.memory_space<hbm>>, %arg5: memref<160000x128xf32, #tpu.memory_space<hbm>>, %arg6: memref<3x160000xf32, #tpu.memory_space<hbm>>, %arg7: memref<16xi32, #tpu.memory_space<hbm>>, %arg8: memref<320000xi32, #tpu.memory_space<hbm>>, %arg9: memref<128x128xf32, #tpu.memory_space<vmem>>, %arg10: memref<128x128xf32, #tpu.memory_space<vmem>>, %arg11: memref<64x128xf32, #tpu.memory_space<vmem>>, %arg12: memref<64x128xf32, #tpu.memory_space<vmem>>, %arg13: memref<3x10240xf32, #tpu.memory_space<vmem>>, %arg14: memref<3x5120xf32, #tpu.memory_space<vmem>>, %arg15: memref<10000xi32, #tpu.memory_space<vmem>>, %arg16: memref<16xi32, #tpu.memory_space<vmem>>, %arg17: memref<!tpu.dma_semaphore, #tpu.memory_space<semaphore_mem>>, %arg18: memref<!tpu.dma_semaphore, #tpu.memory_space<semaphore_mem>>, %arg19: memref<!tpu.dma_semaphore, #tpu.memory_space<semaphore_mem>>, %arg20: memref<!tpu.dma_semaphore, #tpu.memory_space<semaphore_mem>>) attributes {dimension_semantics = [#tpu.dimension_semantics<core_parallel>, #tpu.dimension_semantics<subcore_parallel>], iteration_bounds = array<i64: 2, 16>, scalar_prefetch = 0 : i64, scratch_operands = 12 : i64, tpu.core_type = #tpu.core_type<sc_vector_subcore>, window_params = [{transform_indices = #map}, {transform_indices = #map}, {transform_indices = #map1}, {transform_indices = #map}, {transform_indices = #map}, {transform_indices = #map1}, {transform_indices = #map1}]} {
    %mul3A = arith.constant 2 : i32
    %mul3A_0 = arith.muli %arg1, %mul3A : i32
    %add3A = arith.addi %mul3A_0, %arg0 : i32
    %iota3A = tpu.iota {dimensions = array<i32: 0>} : vector<16xi32>
    %mul3A_1 = arith.constant 10000 : i32
    %mul3A_2 = arith.muli %add3A, %mul3A_1 : i32
    %min3A = arith.constant 0 : i32
    %min3A_3 = arith.constant 9872 : i32
    %min3A_4 = arith.minsi %min3A, %min3A_3 : i32
    %add3A_5 = arith.addi %mul3A_2, %min3A_4 : i32
    %multiple_of3A = tpu.assume_multiple %add3A_5, 16 : i32
    %dma_start3A = arith.constant 0 : i32
    %dma_start3A_6 = tpu.memref_slice %arg2[%multiple_of3A, %dma_start3A] : memref<320000x128xf32, #tpu.memory_space<hbm>> -> memref<128x128xf32, #tpu.memory_space<hbm>>
    %dma_start3A_7 = arith.constant 0 : i32
    %dma_start3A_8 = tpu.memref_slice %arg2[%multiple_of3A, %dma_start3A_7] : memref<320000x128xf32, #tpu.memory_space<hbm>> -> memref<128x128xf32, #tpu.memory_space<hbm>>
    tpu.enqueue_dma source(%dma_start3A_8 : memref<128x128xf32, #tpu.memory_space<hbm>>) target(%arg9 : memref<128x128xf32, #tpu.memory_space<vmem>>) target_semaphore(%arg17 : memref<!tpu.dma_semaphore, #tpu.memory_space<semaphore_mem>>)
    %min3A_9 = arith.constant 128 : i32
    %min3A_10 = arith.constant 9872 : i32
    %min3A_11 = arith.minsi %min3A_9, %min3A_10 : i32
    %add3A_12 = arith.addi %mul3A_2, %min3A_11 : i32
    %multiple_of3A_13 = tpu.assume_multiple %add3A_12, 16 : i32
    %dma_start3A_14 = arith.constant 0 : i32
    %dma_start3A_15 = tpu.memref_slice %arg2[%multiple_of3A_13, %dma_start3A_14] : memref<320000x128xf32, #tpu.memory_space<hbm>> -> memref<128x128xf32, #tpu.memory_space<hbm>>
    %dma_start3A_16 = arith.constant 0 : i32
    %dma_start3A_17 = tpu.memref_slice %arg2[%multiple_of3A_13, %dma_start3A_16] : memref<320000x128xf32, #tpu.memory_space<hbm>> -> memref<128x128xf32, #tpu.memory_space<hbm>>
    tpu.enqueue_dma source(%dma_start3A_17 : memref<128x128xf32, #tpu.memory_space<hbm>>) target(%arg10 : memref<128x128xf32, #tpu.memory_space<vmem>>) target_semaphore(%arg18 : memref<!tpu.dma_semaphore, #tpu.memory_space<semaphore_mem>>)
    %scan3A = arith.constant 0 : i32
    %scan3A_18 = arith.constant 40 : i32
    %scan3A_19 = arith.addi %scan3A, %scan3A_18 : i32
    %scan3A_20 = arith.constant 1 : i32
    scf.for %scan3A_77 = %scan3A to %scan3A_19 step %scan3A_20  : i32 {
      %mul3A_78 = arith.constant 1 : i32
      %mul3A_79 = arith.muli %scan3A_77, %mul3A_78 : i32
      %add3A_80 = arith.constant 0 : i32
      %add3A_81 = arith.addi %add3A_80, %mul3A_79 : i32
      %mul3A_82 = arith.constant 2 : i32
      %mul3A_83 = arith.muli %add3A_81, %mul3A_82 : i32
      %gt3A = arith.constant 0 : i32
      %gt3A_84 = arith.cmpi sgt, %add3A_81, %gt3A : i32
      %convert_element_type3A_85 = arith.extui %gt3A_84 : i1 to i32
      %cond3A_86 = arith.constant 0 : i32
      %cond3A_87 = arith.cmpi ne, %convert_element_type3A_85, %cond3A_86 : i32
      scf.if %cond3A_87 {
        %min3A_164 = arith.constant 0 : i32
        %min3A_165 = arith.constant 9872 : i32
        %min3A_166 = arith.minsi %min3A_164, %min3A_165 : i32
        %add3A_167 = arith.addi %mul3A_2, %min3A_166 : i32
        %multiple_of3A_168 = tpu.assume_multiple %add3A_167, 16 : i32
        %shift_right_logical3A_169 = arith.constant 1 : i32
        %shift_right_logical3A_170 = arith.shrui %multiple_of3A_168, %shift_right_logical3A_169 : i32
        %multiple_of3A_171 = tpu.assume_multiple %shift_right_logical3A_170, 8 : i32
        %dma_wait3A_172 = arith.constant 0 : i32
        %dma_wait3A_173 = tpu.memref_slice %arg5[%multiple_of3A_171, %dma_wait3A_172] : memref<160000x128xf32, #tpu.memory_space<hbm>> -> memref<64x128xf32, #tpu.memory_space<hbm>>
        %dma_wait3A_174 = arith.constant 0 : i32
        %dma_wait3A_175 = tpu.memref_slice %arg5[%multiple_of3A_171, %dma_wait3A_174] : memref<160000x128xf32, #tpu.memory_space<hbm>> -> memref<64x128xf32, #tpu.memory_space<hbm>>
        tpu.wait_dma2 semaphore(%arg19 : memref<!tpu.dma_semaphore, #tpu.memory_space<semaphore_mem>>) src(%arg11 : memref<64x128xf32, #tpu.memory_space<vmem>>) dst(%dma_wait3A_175 : memref<64x128xf32, #tpu.memory_space<hbm>>)
      } else {
      }
      %min3A_88 = arith.constant 0 : i32
      %min3A_89 = arith.constant 9872 : i32
      %min3A_90 = arith.minsi %min3A_88, %min3A_89 : i32
      %add3A_91 = arith.addi %mul3A_2, %min3A_90 : i32
      %multiple_of3A_92 = tpu.assume_multiple %add3A_91, 16 : i32
      %dma_wait3A_93 = arith.constant 0 : i32
      %dma_wait3A_94 = tpu.memref_slice %arg2[%multiple_of3A_92, %dma_wait3A_93] : memref<320000x128xf32, #tpu.memory_space<hbm>> -> memref<128x128xf32, #tpu.memory_space<hbm>>
      %dma_wait3A_95 = arith.constant 0 : i32
      %dma_wait3A_96 = tpu.memref_slice %arg2[%multiple_of3A_92, %dma_wait3A_95] : memref<320000x128xf32, #tpu.memory_space<hbm>> -> memref<128x128xf32, #tpu.memory_space<hbm>>
      tpu.wait_dma2 semaphore(%arg17 : memref<!tpu.dma_semaphore, #tpu.memory_space<semaphore_mem>>) src(%dma_wait3A_96 : memref<128x128xf32, #tpu.memory_space<hbm>>) dst(%arg9 : memref<128x128xf32, #tpu.memory_space<vmem>>)
      %scan3A_97 = arith.constant 0 : i32
      %scan3A_98 = arith.constant 64 : i32
      %scan3A_99 = arith.addi %scan3A_97, %scan3A_98 : i32
      %scan3A_100 = arith.constant 1 : i32
      scf.for %scan3A_164 = %scan3A_97 to %scan3A_99 step %scan3A_100  : i32 {
        %mul3A_165 = arith.constant 1 : i32
        %mul3A_166 = arith.muli %scan3A_164, %mul3A_165 : i32
        %add3A_167 = arith.constant 0 : i32
        %add3A_168 = arith.addi %add3A_167, %mul3A_166 : i32
        %mul3A_169 = arith.constant 2 : i32
        %mul3A_170 = arith.muli %mul3A_169, %add3A_168 : i32
        %get3A = arith.index_cast %mul3A_170 : i32 to index
        %get3A_171 = arith.constant 0 : index
        %get3A_172 = tpu.vector_load %arg9[%get3A, %get3A_171] {strides = array<i32>} : memref<128x128xf32, #tpu.memory_space<vmem>>, vector<1x16xf32>,
        %get3A_173 = vector.shape_cast %get3A_172 : vector<1x16xf32> to vector<16xf32>
        %mul3A_174 = arith.constant 2 : i32
        %mul3A_175 = arith.muli %mul3A_174, %add3A_168 : i32
        %add3A_176 = arith.constant 1 : i32
        %add3A_177 = arith.addi %mul3A_175, %add3A_176 : i32
        %get3A_178 = arith.index_cast %add3A_177 : i32 to index
        %get3A_179 = arith.constant 0 : index
        %get3A_180 = tpu.vector_load %arg9[%get3A_178, %get3A_179] {strides = array<i32>} : memref<128x128xf32, #tpu.memory_space<vmem>>, vector<1x16xf32>,
        %get3A_181 = vector.shape_cast %get3A_180 : vector<1x16xf32> to vector<16xf32>
        %max3A = arith.maximumf %get3A_173, %get3A_181 : vector<16xf32>
        %swap3A = arith.index_cast %add3A_168 : i32 to index
        %swap3A_182 = arith.constant 0 : index
        %swap3A_183 = tpu.vector_load %arg11[%swap3A, %swap3A_182] {strides = array<i32>} : memref<64x128xf32, #tpu.memory_space<vmem>>, vector<1x16xf32>,
        %swap3A_184 = vector.shape_cast %swap3A_183 : vector<1x16xf32> to vector<16xf32>
        %swap3A_185 = vector.shape_cast %max3A : vector<16xf32> to vector<1x16xf32>
        tpu.vector_store %arg11[%swap3A, %swap3A_182], %swap3A_185 {strides = array<i32>} : memref<64x128xf32, #tpu.memory_space<vmem>>, vector<1x16xf32>,
        %mul3A_186 = arith.constant 2 : i32
        %mul3A_187 = arith.muli %mul3A_186, %add3A_168 : i32
        %get3A_188 = arith.index_cast %mul3A_187 : i32 to index
        %get3A_189 = arith.constant 16 : index
        %get3A_190 = tpu.vector_load %arg9[%get3A_188, %get3A_189] {strides = array<i32>} : memref<128x128xf32, #tpu.memory_space<vmem>>, vector<1x16xf32>,
        %get3A_191 = vector.shape_cast %get3A_190 : vector<1x16xf32> to vector<16xf32>
        %mul3A_192 = arith.constant 2 : i32
        %mul3A_193 = arith.muli %mul3A_192, %add3A_168 : i32
        %add3A_194 = arith.constant 1 : i32
        %add3A_195 = arith.addi %mul3A_193, %add3A_194 : i32
        %get3A_196 = arith.index_cast %add3A_195 : i32 to index
        %get3A_197 = arith.constant 16 : index
        %get3A_198 = tpu.vector_load %arg9[%get3A_196, %get3A_197] {strides = array<i32>} : memref<128x128xf32, #tpu.memory_space<vmem>>, vector<1x16xf32>,
        %get3A_199 = vector.shape_cast %get3A_198 : vector<1x16xf32> to vector<16xf32>
        %max3A_200 = arith.maximumf %get3A_191, %get3A_199 : vector<16xf32>
        %swap3A_201 = arith.index_cast %add3A_168 : i32 to index
        %swap3A_202 = arith.constant 16 : index
        %swap3A_203 = tpu.vector_load %arg11[%swap3A_201, %swap3A_202] {strides = array<i32>} : memref<64x128xf32, #tpu.memory_space<vmem>>, vector<1x16xf32>,
        %swap3A_204 = vector.shape_cast %swap3A_203 : vector<1x16xf32> to vector<16xf32>
        %swap3A_205 = vector.shape_cast %max3A_200 : vector<16xf32> to vector<1x16xf32>
        tpu.vector_store %arg11[%swap3A_201, %swap3A_202], %swap3A_205 {strides = array<i32>} : memref<64x128xf32, #tpu.memory_space<vmem>>, vector<1x16xf32>,
        %mul3A_206 = arith.constant 2 : i32
        %mul3A_207 = arith.muli %mul3A_206, %add3A_168 : i32
        %get3A_208 = arith.index_cast %mul3A_207 : i32 to index
        %get3A_209 = arith.constant 32 : index
        %get3A_210 = tpu.vector_load %arg9[%get3A_208, %get3A_209] {strides = array<i32>} : memref<128x128xf32, #tpu.memory_space<vmem>>, vector<1x16xf32>,
        %get3A_211 = vector.shape_cast %get3A_210 : vector<1x16xf32> to vector<16xf32>
        %mul3A_212 = arith.constant 2 : i32
        %mul3A_213 = arith.muli %mul3A_212, %add3A_168 : i32
        %add3A_214 = arith.constant 1 : i32
        %add3A_215 = arith.addi %mul3A_213, %add3A_214 : i32
        %get3A_216 = arith.index_cast %add3A_215 : i32 to index
        %get3A_217 = arith.constant 32 : index
        %get3A_218 = tpu.vector_load %arg9[%get3A_216, %get3A_217] {strides = array<i32>} : memref<128x128xf32, #tpu.memory_space<vmem>>, vector<1x16xf32>,
        %get3A_219 = vector.shape_cast %get3A_218 : vector<1x16xf32> to vector<16xf32>
        %max3A_220 = arith.maximumf %get3A_211, %get3A_219 : vector<16xf32>
        %swap3A_221 = arith.index_cast %add3A_168 : i32 to index
        %swap3A_222 = arith.constant 32 : index
        %swap3A_223 = tpu.vector_load %arg11[%swap3A_221, %swap3A_222] {strides = array<i32>} : memref<64x128xf32, #tpu.memory_space<vmem>>, vector<1x16xf32>,
        %swap3A_224 = vector.shape_cast %swap3A_223 : vector<1x16xf32> to vector<16xf32>
        %swap3A_225 = vector.shape_cast %max3A_220 : vector<16xf32> to vector<1x16xf32>
        tpu.vector_store %arg11[%swap3A_221, %swap3A_222], %swap3A_225 {strides = array<i32>} : memref<64x128xf32, #tpu.memory_space<vmem>>, vector<1x16xf32>,
        %mul3A_226 = arith.constant 2 : i32
        %mul3A_227 = arith.muli %mul3A_226, %add3A_168 : i32
        %get3A_228 = arith.index_cast %mul3A_227 : i32 to index
        %get3A_229 = arith.constant 48 : index
        %get3A_230 = tpu.vector_load %arg9[%get3A_228, %get3A_229] {strides = array<i32>} : memref<128x128xf32, #tpu.memory_space<vmem>>, vector<1x16xf32>,
        %get3A_231 = vector.shape_cast %get3A_230 : vector<1x16xf32> to vector<16xf32>
        %mul3A_232 = arith.constant 2 : i32
        %mul3A_233 = arith.muli %mul3A_232, %add3A_168 : i32
        %add3A_234 = arith.constant 1 : i32
        %add3A_235 = arith.addi %mul3A_233, %add3A_234 : i32
        %get3A_236 = arith.index_cast %add3A_235 : i32 to index
        %get3A_237 = arith.constant 48 : index
        %get3A_238 = tpu.vector_load %arg9[%get3A_236, %get3A_237] {strides = array<i32>} : memref<128x128xf32, #tpu.memory_space<vmem>>, vector<1x16xf32>,
        %get3A_239 = vector.shape_cast %get3A_238 : vector<1x16xf32> to vector<16xf32>
        %max3A_240 = arith.maximumf %get3A_231, %get3A_239 : vector<16xf32>
        %swap3A_241 = arith.index_cast %add3A_168 : i32 to index
        %swap3A_242 = arith.constant 48 : index
        %swap3A_243 = tpu.vector_load %arg11[%swap3A_241, %swap3A_242] {strides = array<i32>} : memref<64x128xf32, #tpu.memory_space<vmem>>, vector<1x16xf32>,
        %swap3A_244 = vector.shape_cast %swap3A_243 : vector<1x16xf32> to vector<16xf32>
        %swap3A_245 = vector.shape_cast %max3A_240 : vector<16xf32> to vector<1x16xf32>
        tpu.vector_store %arg11[%swap3A_241, %swap3A_242], %swap3A_245 {strides = array<i32>} : memref<64x128xf32, #tpu.memory_space<vmem>>, vector<1x16xf32>,
        %mul3A_246 = arith.constant 2 : i32
        %mul3A_247 = arith.muli %mul3A_246, %add3A_168 : i32
        %get3A_248 = arith.index_cast %mul3A_247 : i32 to index
        %get3A_249 = arith.constant 64 : index
        %get3A_250 = tpu.vector_load %arg9[%get3A_248, %get3A_249] {strides = array<i32>} : memref<128x128xf32, #tpu.memory_space<vmem>>, vector<1x16xf32>,
        %get3A_251 = vector.shape_cast %get3A_250 : vector<1x16xf32> to vector<16xf32>
        %mul3A_252 = arith.constant 2 : i32
        %mul3A_253 = arith.muli %mul3A_252, %add3A_168 : i32
        %add3A_254 = arith.constant 1 : i32
        %add3A_255 = arith.addi %mul3A_253, %add3A_254 : i32
        %get3A_256 = arith.index_cast %add3A_255 : i32 to index
        %get3A_257 = arith.constant 64 : index
        %get3A_258 = tpu.vector_load %arg9[%get3A_256, %get3A_257] {strides = array<i32>} : memref<128x128xf32, #tpu.memory_space<vmem>>, vector<1x16xf32>,
        %get3A_259 = vector.shape_cast %get3A_258 : vector<1x16xf32> to vector<16xf32>
        %max3A_260 = arith.maximumf %get3A_251, %get3A_259 : vector<16xf32>
        %swap3A_261 = arith.index_cast %add3A_168 : i32 to index
        %swap3A_262 = arith.constant 64 : index
        %swap3A_263 = tpu.vector_load %arg11[%swap3A_261, %swap3A_262] {strides = array<i32>} : memref<64x128xf32, #tpu.memory_space<vmem>>, vector<1x16xf32>,
        %swap3A_264 = vector.shape_cast %swap3A_263 : vector<1x16xf32> to vector<16xf32>
        %swap3A_265 = vector.shape_cast %max3A_260 : vector<16xf32> to vector<1x16xf32>
        tpu.vector_store %arg11[%swap3A_261, %swap3A_262], %swap3A_265 {strides = array<i32>} : memref<64x128xf32, #tpu.memory_space<vmem>>, vector<1x16xf32>,
        %mul3A_266 = arith.constant 2 : i32
        %mul3A_267 = arith.muli %mul3A_266, %add3A_168 : i32
        %get3A_268 = arith.index_cast %mul3A_267 : i32 to index
        %get3A_269 = arith.constant 80 : index
        %get3A_270 = tpu.vector_load %arg9[%get3A_268, %get3A_269] {strides = array<i32>} : memref<128x128xf32, #tpu.memory_space<vmem>>, vector<1x16xf32>,
        %get3A_271 = vector.shape_cast %get3A_270 : vector<1x16xf32> to vector<16xf32>
        %mul3A_272 = arith.constant 2 : i32
        %mul3A_273 = arith.muli %mul3A_272, %add3A_168 : i32
        %add3A_274 = arith.constant 1 : i32
        %add3A_275 = arith.addi %mul3A_273, %add3A_274 : i32
        %get3A_276 = arith.index_cast %add3A_275 : i32 to index
        %get3A_277 = arith.constant 80 : index
        %get3A_278 = tpu.vector_load %arg9[%get3A_276, %get3A_277] {strides = array<i32>} : memref<128x128xf32, #tpu.memory_space<vmem>>, vector<1x16xf32>,
        %get3A_279 = vector.shape_cast %get3A_278 : vector<1x16xf32> to vector<16xf32>
        %max3A_280 = arith.maximumf %get3A_271, %get3A_279 : vector<16xf32>
        %swap3A_281 = arith.index_cast %add3A_168 : i32 to index
        %swap3A_282 = arith.constant 80 : index
        %swap3A_283 = tpu.vector_load %arg11[%swap3A_281, %swap3A_282] {strides = array<i32>} : memref<64x128xf32, #tpu.memory_space<vmem>>, vector<1x16xf32>,
        %swap3A_284 = vector.shape_cast %swap3A_283 : vector<1x16xf32> to vector<16xf32>
        %swap3A_285 = vector.shape_cast %max3A_280 : vector<16xf32> to vector<1x16xf32>
        tpu.vector_store %arg11[%swap3A_281, %swap3A_282], %swap3A_285 {strides = array<i32>} : memref<64x128xf32, #tpu.memory_space<vmem>>, vector<1x16xf32>,
        %mul3A_286 = arith.constant 2 : i32
        %mul3A_287 = arith.muli %mul3A_286, %add3A_168 : i32
        %get3A_288 = arith.index_cast %mul3A_287 : i32 to index
        %get3A_289 = arith.constant 96 : index
        %get3A_290 = tpu.vector_load %arg9[%get3A_288, %get3A_289] {strides = array<i32>} : memref<128x128xf32, #tpu.memory_space<vmem>>, vector<1x16xf32>,
        %get3A_291 = vector.shape_cast %get3A_290 : vector<1x16xf32> to vector<16xf32>
        %mul3A_292 = arith.constant 2 : i32
        %mul3A_293 = arith.muli %mul3A_292, %add3A_168 : i32
        %add3A_294 = arith.constant 1 : i32
        %add3A_295 = arith.addi %mul3A_293, %add3A_294 : i32
        %get3A_296 = arith.index_cast %add3A_295 : i32 to index
        %get3A_297 = arith.constant 96 : index
        %get3A_298 = tpu.vector_load %arg9[%get3A_296, %get3A_297] {strides = array<i32>} : memref<128x128xf32, #tpu.memory_space<vmem>>, vector<1x16xf32>,
        %get3A_299 = vector.shape_cast %get3A_298 : vector<1x16xf32> to vector<16xf32>
        %max3A_300 = arith.maximumf %get3A_291, %get3A_299 : vector<16xf32>
        %swap3A_301 = arith.index_cast %add3A_168 : i32 to index
        %swap3A_302 = arith.constant 96 : index
        %swap3A_303 = tpu.vector_load %arg11[%swap3A_301, %swap3A_302] {strides = array<i32>} : memref<64x128xf32, #tpu.memory_space<vmem>>, vector<1x16xf32>,
        %swap3A_304 = vector.shape_cast %swap3A_303 : vector<1x16xf32> to vector<16xf32>
        %swap3A_305 = vector.shape_cast %max3A_300 : vector<16xf32> to vector<1x16xf32>
        tpu.vector_store %arg11[%swap3A_301, %swap3A_302], %swap3A_305 {strides = array<i32>} : memref<64x128xf32, #tpu.memory_space<vmem>>, vector<1x16xf32>,
        %mul3A_306 = arith.constant 2 : i32
        %mul3A_307 = arith.muli %mul3A_306, %add3A_168 : i32
        %get3A_308 = arith.index_cast %mul3A_307 : i32 to index
        %get3A_309 = arith.constant 112 : index
        %get3A_310 = tpu.vector_load %arg9[%get3A_308, %get3A_309] {strides = array<i32>} : memref<128x128xf32, #tpu.memory_space<vmem>>, vector<1x16xf32>,
        %get3A_311 = vector.shape_cast %get3A_310 : vector<1x16xf32> to vector<16xf32>
        %mul3A_312 = arith.constant 2 : i32
        %mul3A_313 = arith.muli %mul3A_312, %add3A_168 : i32
        %add3A_314 = arith.constant 1 : i32
        %add3A_315 = arith.addi %mul3A_313, %add3A_314 : i32
        %get3A_316 = arith.index_cast %add3A_315 : i32 to index
        %get3A_317 = arith.constant 112 : index
        %get3A_318 = tpu.vector_load %arg9[%get3A_316, %get3A_317] {strides = array<i32>} : memref<128x128xf32, #tpu.memory_space<vmem>>, vector<1x16xf32>,
        %get3A_319 = vector.shape_cast %get3A_318 : vector<1x16xf32> to vector<16xf32>
        %max3A_320 = arith.maximumf %get3A_311, %get3A_319 : vector<16xf32>
        %swap3A_321 = arith.index_cast %add3A_168 : i32 to index
        %swap3A_322 = arith.constant 112 : index
        %swap3A_323 = tpu.vector_load %arg11[%swap3A_321, %swap3A_322] {strides = array<i32>} : memref<64x128xf32, #tpu.memory_space<vmem>>, vector<1x16xf32>,
        %swap3A_324 = vector.shape_cast %swap3A_323 : vector<1x16xf32> to vector<16xf32>
        %swap3A_325 = vector.shape_cast %max3A_320 : vector<16xf32> to vector<1x16xf32>
        tpu.vector_store %arg11[%swap3A_321, %swap3A_322], %swap3A_325 {strides = array<i32>} : memref<64x128xf32, #tpu.memory_space<vmem>>, vector<1x16xf32>,
      }
      %scan3A_101 = arith.constant 64 : i32
      %add3A_102 = arith.constant 0 : i32
      %add3A_103 = arith.addi %mul3A_83, %add3A_102 : i32
      %mul3A_104 = arith.constant 128 : i32
      %mul3A_105 = arith.muli %add3A_103, %mul3A_104 : i32
      %min3A_106 = arith.constant 9872 : i32
      %min3A_107 = arith.minsi %mul3A_105, %min3A_106 : i32
      %add3A_108 = arith.addi %mul3A_2, %min3A_107 : i32
      %multiple_of3A_109 = tpu.assume_multiple %add3A_108, 16 : i32
      %shift_right_logical3A_110 = arith.constant 1 : i32
      %shift_right_logical3A_111 = arith.shrui %multiple_of3A_109, %shift_right_logical3A_110 : i32
      %multiple_of3A_112 = tpu.assume_multiple %shift_right_logical3A_111, 8 : i32
      %dma_start3A_113 = arith.constant 0 : i32
      %dma_start3A_114 = tpu.memref_slice %arg5[%multiple_of3A_112, %dma_start3A_113] : memref<160000x128xf32, #tpu.memory_space<hbm>> -> memref<64x128xf32, #tpu.memory_space<hbm>>
      %dma_start3A_115 = arith.constant 0 : i32
      %dma_start3A_116 = tpu.memref_slice %arg5[%multiple_of3A_112, %dma_start3A_115] : memref<160000x128xf32, #tpu.memory_space<hbm>> -> memref<64x128xf32, #tpu.memory_space<hbm>>
      tpu.enqueue_dma source(%arg11 : memref<64x128xf32, #tpu.memory_space<vmem>>) target(%dma_start3A_116 : memref<64x128xf32, #tpu.memory_space<hbm>>) target_semaphore(%arg19 : memref<!tpu.dma_semaphore, #tpu.memory_space<semaphore_mem>>)
      %add3A_117 = arith.constant 1 : i32
      %add3A_118 = arith.addi %add3A_81, %add3A_117 : i32
      %lt3A = arith.constant 40 : i32
      %lt3A_119 = arith.cmpi slt, %add3A_118, %lt3A : i32
      %convert_element_type3A_120 = arith.extui %lt3A_119 : i1 to i32
      %cond3A_121 = arith.constant 0 : i32
      %cond3A_122 = arith.cmpi ne, %convert_element_type3A_120, %cond3A_121 : i32
      scf.if %cond3A_122 {
        %add3A_164 = arith.constant 0 : i32
        %add3A_165 = arith.addi %mul3A_83, %add3A_164 : i32
        %add3A_166 = arith.constant 2 : i32
        %add3A_167 = arith.addi %add3A_165, %add3A_166 : i32
        %mul3A_168 = arith.constant 128 : i32
        %mul3A_169 = arith.muli %add3A_167, %mul3A_168 : i32
        %min3A_170 = arith.constant 9872 : i32
        %min3A_171 = arith.minsi %mul3A_169, %min3A_170 : i32
        %add3A_172 = arith.addi %mul3A_2, %min3A_171 : i32
        %multiple_of3A_173 = tpu.assume_multiple %add3A_172, 16 : i32
        %dma_start3A_174 = arith.constant 0 : i32
        %dma_start3A_175 = tpu.memref_slice %arg2[%multiple_of3A_173, %dma_start3A_174] : memref<320000x128xf32, #tpu.memory_space<hbm>> -> memref<128x128xf32, #tpu.memory_space<hbm>>
        %dma_start3A_176 = arith.constant 0 : i32
        %dma_start3A_177 = tpu.memref_slice %arg2[%multiple_of3A_173, %dma_start3A_176] : memref<320000x128xf32, #tpu.memory_space<hbm>> -> memref<128x128xf32, #tpu.memory_space<hbm>>
        tpu.enqueue_dma source(%dma_start3A_177 : memref<128x128xf32, #tpu.memory_space<hbm>>) target(%arg9 : memref<128x128xf32, #tpu.memory_space<vmem>>) target_semaphore(%arg17 : memref<!tpu.dma_semaphore, #tpu.memory_space<semaphore_mem>>)
      } else {
      }
      %gt3A_123 = arith.constant 0 : i32
      %gt3A_124 = arith.cmpi sgt, %add3A_81, %gt3A_123 : i32
      %convert_element_type3A_125 = arith.extui %gt3A_124 : i1 to i32
      %cond3A_126 = arith.constant 0 : i32
      %cond3A_127 = arith.cmpi ne, %convert_element_type3A_125, %cond3A_126 : i32
      scf.if %cond3A_127 {
        %min3A_164 = arith.constant 128 : i32
        %min3A_165 = arith.constant 9872 : i32
        %min3A_166 = arith.minsi %min3A_164, %min3A_165 : i32
        %add3A_167 = arith.addi %mul3A_2, %min3A_166 : i32
        %multiple_of3A_168 = tpu.assume_multiple %add3A_167, 16 : i32
        %shift_right_logical3A_169 = arith.constant 1 : i32
        %shift_right_logical3A_170 = arith.shrui %multiple_of3A_168, %shift_right_logical3A_169 : i32
        %multiple_of3A_171 = tpu.assume_multiple %shift_right_logical3A_170, 8 : i32
        %dma_wait3A_172 = arith.constant 0 : i32
        %dma_wait3A_173 = tpu.memref_slice %arg5[%multiple_of3A_171, %dma_wait3A_172] : memref<160000x128xf32, #tpu.memory_space<hbm>> -> memref<64x128xf32, #tpu.memory_space<hbm>>
        %dma_wait3A_174 = arith.constant 0 : i32
        %dma_wait3A_175 = tpu.memref_slice %arg5[%multiple_of3A_171, %dma_wait3A_174] : memref<160000x128xf32, #tpu.memory_space<hbm>> -> memref<64x128xf32, #tpu.memory_space<hbm>>
        tpu.wait_dma2 semaphore(%arg20 : memref<!tpu.dma_semaphore, #tpu.memory_space<semaphore_mem>>) src(%arg12 : memref<64x128xf32, #tpu.memory_space<vmem>>) dst(%dma_wait3A_175 : memref<64x128xf32, #tpu.memory_space<hbm>>)
      } else {
      }
      %min3A_128 = arith.constant 128 : i32
      %min3A_129 = arith.constant 9872 : i32
      %min3A_130 = arith.minsi %min3A_128, %min3A_129 : i32
      %add3A_131 = arith.addi %mul3A_2, %min3A_130 : i32
      %multiple_of3A_132 = tpu.assume_multiple %add3A_131, 16 : i32
      %dma_wait3A_133 = arith.constant 0 : i32
      %dma_wait3A_134 = tpu.memref_slice %arg2[%multiple_of3A_132, %dma_wait3A_133] : memref<320000x128xf32, #tpu.memory_space<hbm>> -> memref<128x128xf32, #tpu.memory_space<hbm>>
      %dma_wait3A_135 = arith.constant 0 : i32
      %dma_wait3A_136 = tpu.memref_slice %arg2[%multiple_of3A_132, %dma_wait3A_135] : memref<320000x128xf32, #tpu.memory_space<hbm>> -> memref<128x128xf32, #tpu.memory_space<hbm>>
      tpu.wait_dma2 semaphore(%arg18 : memref<!tpu.dma_semaphore, #tpu.memory_space<semaphore_mem>>) src(%dma_wait3A_136 : memref<128x128xf32, #tpu.memory_space<hbm>>) dst(%arg10 : memref<128x128xf32, #tpu.memory_space<vmem>>)
      %scan3A_137 = arith.constant 0 : i32
      %scan3A_138 = arith.constant 64 : i32
      %scan3A_139 = arith.addi %scan3A_137, %scan3A_138 : i32
      %scan3A_140 = arith.constant 1 : i32
      scf.for %scan3A_164 = %scan3A_137 to %scan3A_139 step %scan3A_140  : i32 {
        %mul3A_165 = arith.constant 1 : i32
        %mul3A_166 = arith.muli %scan3A_164, %mul3A_165 : i32
        %add3A_167 = arith.constant 0 : i32
        %add3A_168 = arith.addi %add3A_167, %mul3A_166 : i32
        %mul3A_169 = arith.constant 2 : i32
        %mul3A_170 = arith.muli %mul3A_169, %add3A_168 : i32
        %get3A = arith.index_cast %mul3A_170 : i32 to index
        %get3A_171 = arith.constant 0 : index
        %get3A_172 = tpu.vector_load %arg10[%get3A, %get3A_171] {strides = array<i32>} : memref<128x128xf32, #tpu.memory_space<vmem>>, vector<1x16xf32>,
        %get3A_173 = vector.shape_cast %get3A_172 : vector<1x16xf32> to vector<16xf32>
        %mul3A_174 = arith.constant 2 : i32
        %mul3A_175 = arith.muli %mul3A_174, %add3A_168 : i32
        %add3A_176 = arith.constant 1 : i32
        %add3A_177 = arith.addi %mul3A_175, %add3A_176 : i32
        %get3A_178 = arith.index_cast %add3A_177 : i32 to index
        %get3A_179 = arith.constant 0 : index
        %get3A_180 = tpu.vector_load %arg10[%get3A_178, %get3A_179] {strides = array<i32>} : memref<128x128xf32, #tpu.memory_space<vmem>>, vector<1x16xf32>,
        %get3A_181 = vector.shape_cast %get3A_180 : vector<1x16xf32> to vector<16xf32>
        %max3A = arith.maximumf %get3A_173, %get3A_181 : vector<16xf32>
        %swap3A = arith.index_cast %add3A_168 : i32 to index
        %swap3A_182 = arith.constant 0 : index
        %swap3A_183 = tpu.vector_load %arg12[%swap3A, %swap3A_182] {strides = array<i32>} : memref<64x128xf32, #tpu.memory_space<vmem>>, vector<1x16xf32>,
        %swap3A_184 = vector.shape_cast %swap3A_183 : vector<1x16xf32> to vector<16xf32>
        %swap3A_185 = vector.shape_cast %max3A : vector<16xf32> to vector<1x16xf32>
        tpu.vector_store %arg12[%swap3A, %swap3A_182], %swap3A_185 {strides = array<i32>} : memref<64x128xf32, #tpu.memory_space<vmem>>, vector<1x16xf32>,
        %mul3A_186 = arith.constant 2 : i32
        %mul3A_187 = arith.muli %mul3A_186, %add3A_168 : i32
        %get3A_188 = arith.index_cast %mul3A_187 : i32 to index
        %get3A_189 = arith.constant 16 : index
        %get3A_190 = tpu.vector_load %arg10[%get3A_188, %get3A_189] {strides = array<i32>} : memref<128x128xf32, #tpu.memory_space<vmem>>, vector<1x16xf32>,
        %get3A_191 = vector.shape_cast %get3A_190 : vector<1x16xf32> to vector<16xf32>
        %mul3A_192 = arith.constant 2 : i32
        %mul3A_193 = arith.muli %mul3A_192, %add3A_168 : i32
        %add3A_194 = arith.constant 1 : i32
        %add3A_195 = arith.addi %mul3A_193, %add3A_194 : i32
        %get3A_196 = arith.index_cast %add3A_195 : i32 to index
        %get3A_197 = arith.constant 16 : index
        %get3A_198 = tpu.vector_load %arg10[%get3A_196, %get3A_197] {strides = array<i32>} : memref<128x128xf32, #tpu.memory_space<vmem>>, vector<1x16xf32>,
        %get3A_199 = vector.shape_cast %get3A_198 : vector<1x16xf32> to vector<16xf32>
        %max3A_200 = arith.maximumf %get3A_191, %get3A_199 : vector<16xf32>
        %swap3A_201 = arith.index_cast %add3A_168 : i32 to index
        %swap3A_202 = arith.constant 16 : index
        %swap3A_203 = tpu.vector_load %arg12[%swap3A_201, %swap3A_202] {strides = array<i32>} : memref<64x128xf32, #tpu.memory_space<vmem>>, vector<1x16xf32>,
        %swap3A_204 = vector.shape_cast %swap3A_203 : vector<1x16xf32> to vector<16xf32>
        %swap3A_205 = vector.shape_cast %max3A_200 : vector<16xf32> to vector<1x16xf32>
        tpu.vector_store %arg12[%swap3A_201, %swap3A_202], %swap3A_205 {strides = array<i32>} : memref<64x128xf32, #tpu.memory_space<vmem>>, vector<1x16xf32>,
        %mul3A_206 = arith.constant 2 : i32
        %mul3A_207 = arith.muli %mul3A_206, %add3A_168 : i32
        %get3A_208 = arith.index_cast %mul3A_207 : i32 to index
        %get3A_209 = arith.constant 32 : index
        %get3A_210 = tpu.vector_load %arg10[%get3A_208, %get3A_209] {strides = array<i32>} : memref<128x128xf32, #tpu.memory_space<vmem>>, vector<1x16xf32>,
        %get3A_211 = vector.shape_cast %get3A_210 : vector<1x16xf32> to vector<16xf32>
        %mul3A_212 = arith.constant 2 : i32
        %mul3A_213 = arith.muli %mul3A_212, %add3A_168 : i32
        %add3A_214 = arith.constant 1 : i32
        %add3A_215 = arith.addi %mul3A_213, %add3A_214 : i32
        %get3A_216 = arith.index_cast %add3A_215 : i32 to index
        %get3A_217 = arith.constant 32 : index
        %get3A_218 = tpu.vector_load %arg10[%get3A_216, %get3A_217] {strides = array<i32>} : memref<128x128xf32, #tpu.memory_space<vmem>>, vector<1x16xf32>,
        %get3A_219 = vector.shape_cast %get3A_218 : vector<1x16xf32> to vector<16xf32>
        %max3A_220 = arith.maximumf %get3A_211, %get3A_219 : vector<16xf32>
        %swap3A_221 = arith.index_cast %add3A_168 : i32 to index
        %swap3A_222 = arith.constant 32 : index
        %swap3A_223 = tpu.vector_load %arg12[%swap3A_221, %swap3A_222] {strides = array<i32>} : memref<64x128xf32, #tpu.memory_space<vmem>>, vector<1x16xf32>,
        %swap3A_224 = vector.shape_cast %swap3A_223 : vector<1x16xf32> to vector<16xf32>
        %swap3A_225 = vector.shape_cast %max3A_220 : vector<16xf32> to vector<1x16xf32>
        tpu.vector_store %arg12[%swap3A_221, %swap3A_222], %swap3A_225 {strides = array<i32>} : memref<64x128xf32, #tpu.memory_space<vmem>>, vector<1x16xf32>,
        %mul3A_226 = arith.constant 2 : i32
        %mul3A_227 = arith.muli %mul3A_226, %add3A_168 : i32
        %get3A_228 = arith.index_cast %mul3A_227 : i32 to index
        %get3A_229 = arith.constant 48 : index
        %get3A_230 = tpu.vector_load %arg10[%get3A_228, %get3A_229] {strides = array<i32>} : memref<128x128xf32, #tpu.memory_space<vmem>>, vector<1x16xf32>,
        %get3A_231 = vector.shape_cast %get3A_230 : vector<1x16xf32> to vector<16xf32>
        %mul3A_232 = arith.constant 2 : i32
        %mul3A_233 = arith.muli %mul3A_232, %add3A_168 : i32
        %add3A_234 = arith.constant 1 : i32
        %add3A_235 = arith.addi %mul3A_233, %add3A_234 : i32
        %get3A_236 = arith.index_cast %add3A_235 : i32 to index
        %get3A_237 = arith.constant 48 : index
        %get3A_238 = tpu.vector_load %arg10[%get3A_236, %get3A_237] {strides = array<i32>} : memref<128x128xf32, #tpu.memory_space<vmem>>, vector<1x16xf32>,
        %get3A_239 = vector.shape_cast %get3A_238 : vector<1x16xf32> to vector<16xf32>
        %max3A_240 = arith.maximumf %get3A_231, %get3A_239 : vector<16xf32>
        %swap3A_241 = arith.index_cast %add3A_168 : i32 to index
        %swap3A_242 = arith.constant 48 : index
        %swap3A_243 = tpu.vector_load %arg12[%swap3A_241, %swap3A_242] {strides = array<i32>} : memref<64x128xf32, #tpu.memory_space<vmem>>, vector<1x16xf32>,
        %swap3A_244 = vector.shape_cast %swap3A_243 : vector<1x16xf32> to vector<16xf32>
        %swap3A_245 = vector.shape_cast %max3A_240 : vector<16xf32> to vector<1x16xf32>
        tpu.vector_store %arg12[%swap3A_241, %swap3A_242], %swap3A_245 {strides = array<i32>} : memref<64x128xf32, #tpu.memory_space<vmem>>, vector<1x16xf32>,
        %mul3A_246 = arith.constant 2 : i32
        %mul3A_247 = arith.muli %mul3A_246, %add3A_168 : i32
        %get3A_248 = arith.index_cast %mul3A_247 : i32 to index
        %get3A_249 = arith.constant 64 : index
        %get3A_250 = tpu.vector_load %arg10[%get3A_248, %get3A_249] {strides = array<i32>} : memref<128x128xf32, #tpu.memory_space<vmem>>, vector<1x16xf32>,
        %get3A_251 = vector.shape_cast %get3A_250 : vector<1x16xf32> to vector<16xf32>
        %mul3A_252 = arith.constant 2 : i32
        %mul3A_253 = arith.muli %mul3A_252, %add3A_168 : i32
        %add3A_254 = arith.constant 1 : i32
        %add3A_255 = arith.addi %mul3A_253, %add3A_254 : i32
        %get3A_256 = arith.index_cast %add3A_255 : i32 to index
        %get3A_257 = arith.constant 64 : index
        %get3A_258 = tpu.vector_load %arg10[%get3A_256, %get3A_257] {strides = array<i32>} : memref<128x128xf32, #tpu.memory_space<vmem>>, vector<1x16xf32>,
        %get3A_259 = vector.shape_cast %get3A_258 : vector<1x16xf32> to vector<16xf32>
        %max3A_260 = arith.maximumf %get3A_251, %get3A_259 : vector<16xf32>
        %swap3A_261 = arith.index_cast %add3A_168 : i32 to index
        %swap3A_262 = arith.constant 64 : index
        %swap3A_263 = tpu.vector_load %arg12[%swap3A_261, %swap3A_262] {strides = array<i32>} : memref<64x128xf32, #tpu.memory_space<vmem>>, vector<1x16xf32>,
        %swap3A_264 = vector.shape_cast %swap3A_263 : vector<1x16xf32> to vector<16xf32>
        %swap3A_265 = vector.shape_cast %max3A_260 : vector<16xf32> to vector<1x16xf32>
        tpu.vector_store %arg12[%swap3A_261, %swap3A_262], %swap3A_265 {strides = array<i32>} : memref<64x128xf32, #tpu.memory_space<vmem>>, vector<1x16xf32>,
        %mul3A_266 = arith.constant 2 : i32
        %mul3A_267 = arith.muli %mul3A_266, %add3A_168 : i32
        %get3A_268 = arith.index_cast %mul3A_267 : i32 to index
        %get3A_269 = arith.constant 80 : index
        %get3A_270 = tpu.vector_load %arg10[%get3A_268, %get3A_269] {strides = array<i32>} : memref<128x128xf32, #tpu.memory_space<vmem>>, vector<1x16xf32>,
        %get3A_271 = vector.shape_cast %get3A_270 : vector<1x16xf32> to vector<16xf32>
        %mul3A_272 = arith.constant 2 : i32
        %mul3A_273 = arith.muli %mul3A_272, %add3A_168 : i32
        %add3A_274 = arith.constant 1 : i32
        %add3A_275 = arith.addi %mul3A_273, %add3A_274 : i32
        %get3A_276 = arith.index_cast %add3A_275 : i32 to index
        %get3A_277 = arith.constant 80 : index
        %get3A_278 = tpu.vector_load %arg10[%get3A_276, %get3A_277] {strides = array<i32>} : memref<128x128xf32, #tpu.memory_space<vmem>>, vector<1x16xf32>,
        %get3A_279 = vector.shape_cast %get3A_278 : vector<1x16xf32> to vector<16xf32>
        %max3A_280 = arith.maximumf %get3A_271, %get3A_279 : vector<16xf32>
        %swap3A_281 = arith.index_cast %add3A_168 : i32 to index
        %swap3A_282 = arith.constant 80 : index
        %swap3A_283 = tpu.vector_load %arg12[%swap3A_281, %swap3A_282] {strides = array<i32>} : memref<64x128xf32, #tpu.memory_space<vmem>>, vector<1x16xf32>,
        %swap3A_284 = vector.shape_cast %swap3A_283 : vector<1x16xf32> to vector<16xf32>
        %swap3A_285 = vector.shape_cast %max3A_280 : vector<16xf32> to vector<1x16xf32>
        tpu.vector_store %arg12[%swap3A_281, %swap3A_282], %swap3A_285 {strides = array<i32>} : memref<64x128xf32, #tpu.memory_space<vmem>>, vector<1x16xf32>,
        %mul3A_286 = arith.constant 2 : i32
        %mul3A_287 = arith.muli %mul3A_286, %add3A_168 : i32
        %get3A_288 = arith.index_cast %mul3A_287 : i32 to index
        %get3A_289 = arith.constant 96 : index
        %get3A_290 = tpu.vector_load %arg10[%get3A_288, %get3A_289] {strides = array<i32>} : memref<128x128xf32, #tpu.memory_space<vmem>>, vector<1x16xf32>,
        %get3A_291 = vector.shape_cast %get3A_290 : vector<1x16xf32> to vector<16xf32>
        %mul3A_292 = arith.constant 2 : i32
        %mul3A_293 = arith.muli %mul3A_292, %add3A_168 : i32
        %add3A_294 = arith.constant 1 : i32
        %add3A_295 = arith.addi %mul3A_293, %add3A_294 : i32
        %get3A_296 = arith.index_cast %add3A_295 : i32 to index
        %get3A_297 = arith.constant 96 : index
        %get3A_298 = tpu.vector_load %arg10[%get3A_296, %get3A_297] {strides = array<i32>} : memref<128x128xf32, #tpu.memory_space<vmem>>, vector<1x16xf32>,
        %get3A_299 = vector.shape_cast %get3A_298 : vector<1x16xf32> to vector<16xf32>
        %max3A_300 = arith.maximumf %get3A_291, %get3A_299 : vector<16xf32>
        %swap3A_301 = arith.index_cast %add3A_168 : i32 to index
        %swap3A_302 = arith.constant 96 : index
        %swap3A_303 = tpu.vector_load %arg12[%swap3A_301, %swap3A_302] {strides = array<i32>} : memref<64x128xf32, #tpu.memory_space<vmem>>, vector<1x16xf32>,
        %swap3A_304 = vector.shape_cast %swap3A_303 : vector<1x16xf32> to vector<16xf32>
        %swap3A_305 = vector.shape_cast %max3A_300 : vector<16xf32> to vector<1x16xf32>
        tpu.vector_store %arg12[%swap3A_301, %swap3A_302], %swap3A_305 {strides = array<i32>} : memref<64x128xf32, #tpu.memory_space<vmem>>, vector<1x16xf32>,
        %mul3A_306 = arith.constant 2 : i32
        %mul3A_307 = arith.muli %mul3A_306, %add3A_168 : i32
        %get3A_308 = arith.index_cast %mul3A_307 : i32 to index
        %get3A_309 = arith.constant 112 : index
        %get3A_310 = tpu.vector_load %arg10[%get3A_308, %get3A_309] {strides = array<i32>} : memref<128x128xf32, #tpu.memory_space<vmem>>, vector<1x16xf32>,
        %get3A_311 = vector.shape_cast %get3A_310 : vector<1x16xf32> to vector<16xf32>
        %mul3A_312 = arith.constant 2 : i32
        %mul3A_313 = arith.muli %mul3A_312, %add3A_168 : i32
        %add3A_314 = arith.constant 1 : i32
        %add3A_315 = arith.addi %mul3A_313, %add3A_314 : i32
        %get3A_316 = arith.index_cast %add3A_315 : i32 to index
        %get3A_317 = arith.constant 112 : index
        %get3A_318 = tpu.vector_load %arg10[%get3A_316, %get3A_317] {strides = array<i32>} : memref<128x128xf32, #tpu.memory_space<vmem>>, vector<1x16xf32>,
        %get3A_319 = vector.shape_cast %get3A_318 : vector<1x16xf32> to vector<16xf32>
        %max3A_320 = arith.maximumf %get3A_311, %get3A_319 : vector<16xf32>
        %swap3A_321 = arith.index_cast %add3A_168 : i32 to index
        %swap3A_322 = arith.constant 112 : index
        %swap3A_323 = tpu.vector_load %arg12[%swap3A_321, %swap3A_322] {strides = array<i32>} : memref<64x128xf32, #tpu.memory_space<vmem>>, vector<1x16xf32>,
        %swap3A_324 = vector.shape_cast %swap3A_323 : vector<1x16xf32> to vector<16xf32>
        %swap3A_325 = vector.shape_cast %max3A_320 : vector<16xf32> to vector<1x16xf32>
        tpu.vector_store %arg12[%swap3A_321, %swap3A_322], %swap3A_325 {strides = array<i32>} : memref<64x128xf32, #tpu.memory_space<vmem>>, vector<1x16xf32>,
      }
      %scan3A_141 = arith.constant 64 : i32
      %add3A_142 = arith.constant 1 : i32
      %add3A_143 = arith.addi %mul3A_83, %add3A_142 : i32
      %mul3A_144 = arith.constant 128 : i32
      %mul3A_145 = arith.muli %add3A_143, %mul3A_144 : i32
      %min3A_146 = arith.constant 9872 : i32
      %min3A_147 = arith.minsi %mul3A_145, %min3A_146 : i32
      %add3A_148 = arith.addi %mul3A_2, %min3A_147 : i32
      %multiple_of3A_149 = tpu.assume_multiple %add3A_148, 16 : i32
      %shift_right_logical3A_150 = arith.constant 1 : i32
      %shift_right_logical3A_151 = arith.shrui %multiple_of3A_149, %shift_right_logical3A_150 : i32
      %multiple_of3A_152 = tpu.assume_multiple %shift_right_logical3A_151, 8 : i32
      %dma_start3A_153 = arith.constant 0 : i32
      %dma_start3A_154 = tpu.memref_slice %arg5[%multiple_of3A_152, %dma_start3A_153] : memref<160000x128xf32, #tpu.memory_space<hbm>> -> memref<64x128xf32, #tpu.memory_space<hbm>>
      %dma_start3A_155 = arith.constant 0 : i32
      %dma_start3A_156 = tpu.memref_slice %arg5[%multiple_of3A_152, %dma_start3A_155] : memref<160000x128xf32, #tpu.memory_space<hbm>> -> memref<64x128xf32, #tpu.memory_space<hbm>>
      tpu.enqueue_dma source(%arg12 : memref<64x128xf32, #tpu.memory_space<vmem>>) target(%dma_start3A_156 : memref<64x128xf32, #tpu.memory_space<hbm>>) target_semaphore(%arg20 : memref<!tpu.dma_semaphore, #tpu.memory_space<semaphore_mem>>)
      %add3A_157 = arith.constant 1 : i32
      %add3A_158 = arith.addi %add3A_81, %add3A_157 : i32
      %lt3A_159 = arith.constant 40 : i32
      %lt3A_160 = arith.cmpi slt, %add3A_158, %lt3A_159 : i32
      %convert_element_type3A_161 = arith.extui %lt3A_160 : i1 to i32
      %cond3A_162 = arith.constant 0 : i32
      %cond3A_163 = arith.cmpi ne, %convert_element_type3A_161, %cond3A_162 : i32
      scf.if %cond3A_163 {
        %add3A_164 = arith.constant 1 : i32
        %add3A_165 = arith.addi %mul3A_83, %add3A_164 : i32
        %add3A_166 = arith.constant 2 : i32
        %add3A_167 = arith.addi %add3A_165, %add3A_166 : i32
        %mul3A_168 = arith.constant 128 : i32
        %mul3A_169 = arith.muli %add3A_167, %mul3A_168 : i32
        %min3A_170 = arith.constant 9872 : i32
        %min3A_171 = arith.minsi %mul3A_169, %min3A_170 : i32
        %add3A_172 = arith.addi %mul3A_2, %min3A_171 : i32
        %multiple_of3A_173 = tpu.assume_multiple %add3A_172, 16 : i32
        %dma_start3A_174 = arith.constant 0 : i32
        %dma_start3A_175 = tpu.memref_slice %arg2[%multiple_of3A_173, %dma_start3A_174] : memref<320000x128xf32, #tpu.memory_space<hbm>> -> memref<128x128xf32, #tpu.memory_space<hbm>>
        %dma_start3A_176 = arith.constant 0 : i32
        %dma_start3A_177 = tpu.memref_slice %arg2[%multiple_of3A_173, %dma_start3A_176] : memref<320000x128xf32, #tpu.memory_space<hbm>> -> memref<128x128xf32, #tpu.memory_space<hbm>>
        tpu.enqueue_dma source(%dma_start3A_177 : memref<128x128xf32, #tpu.memory_space<hbm>>) target(%arg10 : memref<128x128xf32, #tpu.memory_space<vmem>>) target_semaphore(%arg18 : memref<!tpu.dma_semaphore, #tpu.memory_space<semaphore_mem>>)
      } else {
      }
    }
    %scan3A_21 = arith.constant 40 : i32
    %min3A_22 = arith.constant 0 : i32
    %min3A_23 = arith.constant 9872 : i32
    %min3A_24 = arith.minsi %min3A_22, %min3A_23 : i32
    %add3A_25 = arith.addi %mul3A_2, %min3A_24 : i32
    %multiple_of3A_26 = tpu.assume_multiple %add3A_25, 16 : i32
    %shift_right_logical3A = arith.constant 1 : i32
    %shift_right_logical3A_27 = arith.shrui %multiple_of3A_26, %shift_right_logical3A : i32
    %multiple_of3A_28 = tpu.assume_multiple %shift_right_logical3A_27, 8 : i32
    %dma_wait3A = arith.constant 0 : i32
    %dma_wait3A_29 = tpu.memref_slice %arg5[%multiple_of3A_28, %dma_wait3A] : memref<160000x128xf32, #tpu.memory_space<hbm>> -> memref<64x128xf32, #tpu.memory_space<hbm>>
    %dma_wait3A_30 = arith.constant 0 : i32
    %dma_wait3A_31 = tpu.memref_slice %arg5[%multiple_of3A_28, %dma_wait3A_30] : memref<160000x128xf32, #tpu.memory_space<hbm>> -> memref<64x128xf32, #tpu.memory_space<hbm>>
    tpu.wait_dma2 semaphore(%arg19 : memref<!tpu.dma_semaphore, #tpu.memory_space<semaphore_mem>>) src(%arg11 : memref<64x128xf32, #tpu.memory_space<vmem>>) dst(%dma_wait3A_31 : memref<64x128xf32, #tpu.memory_space<hbm>>)
    %min3A_32 = arith.constant 128 : i32
    %min3A_33 = arith.constant 9872 : i32
    %min3A_34 = arith.minsi %min3A_32, %min3A_33 : i32
    %add3A_35 = arith.addi %mul3A_2, %min3A_34 : i32
    %multiple_of3A_36 = tpu.assume_multiple %add3A_35, 16 : i32
    %shift_right_logical3A_37 = arith.constant 1 : i32
    %shift_right_logical3A_38 = arith.shrui %multiple_of3A_36, %shift_right_logical3A_37 : i32
    %multiple_of3A_39 = tpu.assume_multiple %shift_right_logical3A_38, 8 : i32
    %dma_wait3A_40 = arith.constant 0 : i32
    %dma_wait3A_41 = tpu.memref_slice %arg5[%multiple_of3A_39, %dma_wait3A_40] : memref<160000x128xf32, #tpu.memory_space<hbm>> -> memref<64x128xf32, #tpu.memory_space<hbm>>
    %dma_wait3A_42 = arith.constant 0 : i32
    %dma_wait3A_43 = tpu.memref_slice %arg5[%multiple_of3A_39, %dma_wait3A_42] : memref<160000x128xf32, #tpu.memory_space<hbm>> -> memref<64x128xf32, #tpu.memory_space<hbm>>
    tpu.wait_dma2 semaphore(%arg20 : memref<!tpu.dma_semaphore, #tpu.memory_space<semaphore_mem>>) src(%arg12 : memref<64x128xf32, #tpu.memory_space<vmem>>) dst(%dma_wait3A_43 : memref<64x128xf32, #tpu.memory_space<hbm>>)
    %mul3A_44 = arith.constant 5120 : i32
    %mul3A_45 = arith.muli %add3A, %mul3A_44 : i32
    %min3A_46 = arith.constant 154880 : i32
    %min3A_47 = arith.minsi %mul3A_45, %min3A_46 : i32
    %multiple_of3A_48 = tpu.assume_multiple %min3A_47, 128 : i32
    %mul3A_49 = arith.constant 2 : i32
    %mul3A_50 = vector.broadcast %mul3A_49 : i32 to vector<16xi32>
    %mul3A_51 = arith.muli %iota3A, %mul3A_50 : vector<16xi32>
    %and3A = arith.constant 15 : i32
    %and3A_52 = vector.broadcast %and3A : i32 to vector<16xi32>
    %and3A_53 = arith.andi %mul3A_51, %and3A_52 : vector<16xi32>
    %ge3A = arith.constant 8 : i32
    %ge3A_54 = vector.broadcast %ge3A : i32 to vector<16xi32>
    %ge3A_55 = arith.cmpi sge, %iota3A, %ge3A_54 : vector<16xi32>
    %mul3A_56 = arith.constant 2 : i32
    %mul3A_57 = arith.muli %mul3A_56, %multiple_of3A_48 : i32
    "tpu.region"() ({
      %run_scoped3A = tpu.sem_alloc : memref<!tpu.dma_semaphore, #tpu.memory_space<semaphore_mem>>
      %dma_start3A_77 = arith.constant 0 : i32
      %dma_start3A_78 = tpu.memref_slice %arg3[%dma_start3A_77, %mul3A_57] : memref<3x320000xf32, #tpu.memory_space<hbm>> -> memref<3x10240xf32, #tpu.memory_space<hbm>>
      %dma_start3A_79 = arith.constant 0 : i32
      %dma_start3A_80 = tpu.memref_slice %arg3[%dma_start3A_79, %mul3A_57] : memref<3x320000xf32, #tpu.memory_space<hbm>> -> memref<3x10240xf32, #tpu.memory_space<hbm>>
      tpu.enqueue_dma source(%dma_start3A_80 : memref<3x10240xf32, #tpu.memory_space<hbm>>) target(%arg13 : memref<3x10240xf32, #tpu.memory_space<vmem>>) target_semaphore(%run_scoped3A : memref<!tpu.dma_semaphore, #tpu.memory_space<semaphore_mem>>)
      %dma_wait3A_81 = arith.constant 0 : i32
      %dma_wait3A_82 = tpu.memref_slice %arg3[%dma_wait3A_81, %mul3A_57] : memref<3x320000xf32, #tpu.memory_space<hbm>> -> memref<3x10240xf32, #tpu.memory_space<hbm>>
      %dma_wait3A_83 = arith.constant 0 : i32
      %dma_wait3A_84 = tpu.memref_slice %arg3[%dma_wait3A_83, %mul3A_57] : memref<3x320000xf32, #tpu.memory_space<hbm>> -> memref<3x10240xf32, #tpu.memory_space<hbm>>
      tpu.wait_dma2 semaphore(%run_scoped3A : memref<!tpu.dma_semaphore, #tpu.memory_space<semaphore_mem>>) src(%dma_wait3A_84 : memref<3x10240xf32, #tpu.memory_space<hbm>>) dst(%arg13 : memref<3x10240xf32, #tpu.memory_space<vmem>>)
      tpu.yield
    }) : () -> ()
    %scan3A_58 = arith.constant 0 : i32
    %scan3A_59 = arith.constant 320 : i32
    %scan3A_60 = arith.addi %scan3A_58, %scan3A_59 : i32
    %scan3A_61 = arith.constant 1 : i32
    scf.for %scan3A_77 = %scan3A_58 to %scan3A_60 step %scan3A_61  : i32 {
      %mul3A_78 = arith.constant 1 : i32
      %mul3A_79 = arith.muli %scan3A_77, %mul3A_78 : i32
      %add3A_80 = arith.constant 0 : i32
      %add3A_81 = arith.addi %add3A_80, %mul3A_79 : i32
      %mul3A_82 = arith.constant 32 : i32
      %mul3A_83 = arith.muli %mul3A_82, %add3A_81 : i32
      %get3A = arith.constant 0 : i32
      %get3A_84 = arith.index_cast %get3A : i32 to index
      %get3A_85 = arith.index_cast %mul3A_83 : i32 to index
      %get3A_86 = tpu.vector_load %arg13[%get3A_84, %get3A_85] {strides = array<i32>} : memref<3x10240xf32, #tpu.memory_space<vmem>>, vector<1x16xf32>,
      %get3A_87 = vector.shape_cast %get3A_86 : vector<1x16xf32> to vector<16xf32>
      %mul3A_88 = arith.constant 32 : i32
      %mul3A_89 = arith.muli %mul3A_88, %add3A_81 : i32
      %add3A_90 = arith.constant 16 : i32
      %add3A_91 = arith.addi %mul3A_89, %add3A_90 : i32
      %get3A_92 = arith.constant 0 : i32
      %get3A_93 = arith.index_cast %get3A_92 : i32 to index
      %get3A_94 = arith.index_cast %add3A_91 : i32 to index
      %get3A_95 = tpu.vector_load %arg13[%get3A_93, %get3A_94] {strides = array<i32>} : memref<3x10240xf32, #tpu.memory_space<vmem>>, vector<1x16xf32>,
      %get3A_96 = vector.shape_cast %get3A_95 : vector<1x16xf32> to vector<16xf32>
      %broadcast_in_dim3A = vector.shape_cast %and3A_53 : vector<16xi32> to vector<16x1xi32>
      %gather3A = vector.shape_cast %broadcast_in_dim3A : vector<16x1xi32> to vector<16xi32>
      %gather3A_97 = tpu.dynamic_gather %get3A_96[%gather3A] in [0] : vector<16xf32>, vector<16xi32> -> vector<16xf32>
      %broadcast_in_dim3A_98 = vector.shape_cast %and3A_53 : vector<16xi32> to vector<16x1xi32>
      %gather3A_99 = vector.shape_cast %broadcast_in_dim3A_98 : vector<16x1xi32> to vector<16xi32>
      %gather3A_100 = tpu.dynamic_gather %get3A_87[%gather3A_99] in [0] : vector<16xf32>, vector<16xi32> -> vector<16xf32>
      %select_n3A = arith.select %ge3A_55, %gather3A_97, %gather3A_100 : vector<16xi1>, vector<16xf32>
      %add3A_101 = arith.constant 1 : i32
      %add3A_102 = vector.broadcast %add3A_101 : i32 to vector<16xi32>
      %add3A_103 = arith.addi %and3A_53, %add3A_102 : vector<16xi32>
      %broadcast_in_dim3A_104 = vector.shape_cast %add3A_103 : vector<16xi32> to vector<16x1xi32>
      %gather3A_105 = vector.shape_cast %broadcast_in_dim3A_104 : vector<16x1xi32> to vector<16xi32>
      %gather3A_106 = tpu.dynamic_gather %get3A_96[%gather3A_105] in [0] : vector<16xf32>, vector<16xi32> -> vector<16xf32>
      %add3A_107 = arith.constant 1 : i32
      %add3A_108 = vector.broadcast %add3A_107 : i32 to vector<16xi32>
      %add3A_109 = arith.addi %and3A_53, %add3A_108 : vector<16xi32>
      %broadcast_in_dim3A_110 = vector.shape_cast %add3A_109 : vector<16xi32> to vector<16x1xi32>
      %gather3A_111 = vector.shape_cast %broadcast_in_dim3A_110 : vector<16x1xi32> to vector<16xi32>
      %gather3A_112 = tpu.dynamic_gather %get3A_87[%gather3A_111] in [0] : vector<16xf32>, vector<16xi32> -> vector<16xf32>
      %select_n3A_113 = arith.select %ge3A_55, %gather3A_106, %gather3A_112 : vector<16xi1>, vector<16xf32>
      %add3A_114 = arith.addf %select_n3A, %select_n3A_113 : vector<16xf32>
      %mul3A_115 = arith.constant 5.000000e-01 : f32
      %mul3A_116 = vector.broadcast %mul3A_115 : f32 to vector<16xf32>
      %mul3A_117 = arith.mulf %add3A_114, %mul3A_116 : vector<16xf32>
      %mul3A_118 = arith.constant 16 : i32
      %mul3A_119 = arith.muli %mul3A_118, %add3A_81 : i32
      %swap3A = arith.constant 0 : i32
      %swap3A_120 = arith.index_cast %swap3A : i32 to index
      %swap3A_121 = arith.index_cast %mul3A_119 : i32 to index
      %swap3A_122 = tpu.vector_load %arg14[%swap3A_120, %swap3A_121] {strides = array<i32>} : memref<3x5120xf32, #tpu.memory_space<vmem>>, vector<1x16xf32>,
      %swap3A_123 = vector.shape_cast %swap3A_122 : vector<1x16xf32> to vector<16xf32>
      %swap3A_124 = vector.shape_cast %mul3A_117 : vector<16xf32> to vector<1x16xf32>
      tpu.vector_store %arg14[%swap3A_120, %swap3A_121], %swap3A_124 {strides = array<i32>} : memref<3x5120xf32, #tpu.memory_space<vmem>>, vector<1x16xf32>,
      %mul3A_125 = arith.constant 32 : i32
      %mul3A_126 = arith.muli %mul3A_125, %add3A_81 : i32
      %get3A_127 = arith.constant 1 : i32
      %get3A_128 = arith.index_cast %get3A_127 : i32 to index
      %get3A_129 = arith.index_cast %mul3A_126 : i32 to index
      %get3A_130 = tpu.vector_load %arg13[%get3A_128, %get3A_129] {strides = array<i32>} : memref<3x10240xf32, #tpu.memory_space<vmem>>, vector<1x16xf32>,
      %get3A_131 = vector.shape_cast %get3A_130 : vector<1x16xf32> to vector<16xf32>
      %mul3A_132 = arith.constant 32 : i32
      %mul3A_133 = arith.muli %mul3A_132, %add3A_81 : i32
      %add3A_134 = arith.constant 16 : i32
      %add3A_135 = arith.addi %mul3A_133, %add3A_134 : i32
      %get3A_136 = arith.constant 1 : i32
      %get3A_137 = arith.index_cast %get3A_136 : i32 to index
      %get3A_138 = arith.index_cast %add3A_135 : i32 to index
      %get3A_139 = tpu.vector_load %arg13[%get3A_137, %get3A_138] {strides = array<i32>} : memref<3x10240xf32, #tpu.memory_space<vmem>>, vector<1x16xf32>,
      %get3A_140 = vector.shape_cast %get3A_139 : vector<1x16xf32> to vector<16xf32>
      %broadcast_in_dim3A_141 = vector.shape_cast %and3A_53 : vector<16xi32> to vector<16x1xi32>
      %gather3A_142 = vector.shape_cast %broadcast_in_dim3A_141 : vector<16x1xi32> to vector<16xi32>
      %gather3A_143 = tpu.dynamic_gather %get3A_140[%gather3A_142] in [0] : vector<16xf32>, vector<16xi32> -> vector<16xf32>
      %broadcast_in_dim3A_144 = vector.shape_cast %and3A_53 : vector<16xi32> to vector<16x1xi32>
      %gather3A_145 = vector.shape_cast %broadcast_in_dim3A_144 : vector<16x1xi32> to vector<16xi32>
      %gather3A_146 = tpu.dynamic_gather %get3A_131[%gather3A_145] in [0] : vector<16xf32>, vector<16xi32> -> vector<16xf32>
      %select_n3A_147 = arith.select %ge3A_55, %gather3A_143, %gather3A_146 : vector<16xi1>, vector<16xf32>
      %add3A_148 = arith.constant 1 : i32
      %add3A_149 = vector.broadcast %add3A_148 : i32 to vector<16xi32>
      %add3A_150 = arith.addi %and3A_53, %add3A_149 : vector<16xi32>
      %broadcast_in_dim3A_151 = vector.shape_cast %add3A_150 : vector<16xi32> to vector<16x1xi32>
      %gather3A_152 = vector.shape_cast %broadcast_in_dim3A_151 : vector<16x1xi32> to vector<16xi32>
      %gather3A_153 = tpu.dynamic_gather %get3A_140[%gather3A_152] in [0] : vector<16xf32>, vector<16xi32> -> vector<16xf32>
      %add3A_154 = arith.constant 1 : i32
      %add3A_155 = vector.broadcast %add3A_154 : i32 to vector<16xi32>
      %add3A_156 = arith.addi %and3A_53, %add3A_155 : vector<16xi32>
      %broadcast_in_dim3A_157 = vector.shape_cast %add3A_156 : vector<16xi32> to vector<16x1xi32>
      %gather3A_158 = vector.shape_cast %broadcast_in_dim3A_157 : vector<16x1xi32> to vector<16xi32>
      %gather3A_159 = tpu.dynamic_gather %get3A_131[%gather3A_158] in [0] : vector<16xf32>, vector<16xi32> -> vector<16xf32>
      %select_n3A_160 = arith.select %ge3A_55, %gather3A_153, %gather3A_159 : vector<16xi1>, vector<16xf32>
      %add3A_161 = arith.addf %select_n3A_147, %select_n3A_160 : vector<16xf32>
      %mul3A_162 = arith.constant 5.000000e-01 : f32
      %mul3A_163 = vector.broadcast %mul3A_162 : f32 to vector<16xf32>
      %mul3A_164 = arith.mulf %add3A_161, %mul3A_163 : vector<16xf32>
      %mul3A_165 = arith.constant 16 : i32
      %mul3A_166 = arith.muli %mul3A_165, %add3A_81 : i32
      %swap3A_167 = arith.constant 1 : i32
      %swap3A_168 = arith.index_cast %swap3A_167 : i32 to index
      %swap3A_169 = arith.index_cast %mul3A_166 : i32 to index
      %swap3A_170 = tpu.vector_load %arg14[%swap3A_168, %swap3A_169] {strides = array<i32>} : memref<3x5120xf32, #tpu.memory_space<vmem>>, vector<1x16xf32>,
      %swap3A_171 = vector.shape_cast %swap3A_170 : vector<1x16xf32> to vector<16xf32>
      %swap3A_172 = vector.shape_cast %mul3A_164 : vector<16xf32> to vector<1x16xf32>
      tpu.vector_store %arg14[%swap3A_168, %swap3A_169], %swap3A_172 {strides = array<i32>} : memref<3x5120xf32, #tpu.memory_space<vmem>>, vector<1x16xf32>,
      %mul3A_173 = arith.constant 32 : i32
      %mul3A_174 = arith.muli %mul3A_173, %add3A_81 : i32
      %get3A_175 = arith.constant 2 : i32
      %get3A_176 = arith.index_cast %get3A_175 : i32 to index
      %get3A_177 = arith.index_cast %mul3A_174 : i32 to index
      %get3A_178 = tpu.vector_load %arg13[%get3A_176, %get3A_177] {strides = array<i32>} : memref<3x10240xf32, #tpu.memory_space<vmem>>, vector<1x16xf32>,
      %get3A_179 = vector.shape_cast %get3A_178 : vector<1x16xf32> to vector<16xf32>
      %mul3A_180 = arith.constant 32 : i32
      %mul3A_181 = arith.muli %mul3A_180, %add3A_81 : i32
      %add3A_182 = arith.constant 16 : i32
      %add3A_183 = arith.addi %mul3A_181, %add3A_182 : i32
      %get3A_184 = arith.constant 2 : i32
      %get3A_185 = arith.index_cast %get3A_184 : i32 to index
      %get3A_186 = arith.index_cast %add3A_183 : i32 to index
      %get3A_187 = tpu.vector_load %arg13[%get3A_185, %get3A_186] {strides = array<i32>} : memref<3x10240xf32, #tpu.memory_space<vmem>>, vector<1x16xf32>,
      %get3A_188 = vector.shape_cast %get3A_187 : vector<1x16xf32> to vector<16xf32>
      %broadcast_in_dim3A_189 = vector.shape_cast %and3A_53 : vector<16xi32> to vector<16x1xi32>
      %gather3A_190 = vector.shape_cast %broadcast_in_dim3A_189 : vector<16x1xi32> to vector<16xi32>
      %gather3A_191 = tpu.dynamic_gather %get3A_188[%gather3A_190] in [0] : vector<16xf32>, vector<16xi32> -> vector<16xf32>
      %broadcast_in_dim3A_192 = vector.shape_cast %and3A_53 : vector<16xi32> to vector<16x1xi32>
      %gather3A_193 = vector.shape_cast %broadcast_in_dim3A_192 : vector<16x1xi32> to vector<16xi32>
      %gather3A_194 = tpu.dynamic_gather %get3A_179[%gather3A_193] in [0] : vector<16xf32>, vector<16xi32> -> vector<16xf32>
      %select_n3A_195 = arith.select %ge3A_55, %gather3A_191, %gather3A_194 : vector<16xi1>, vector<16xf32>
      %add3A_196 = arith.constant 1 : i32
      %add3A_197 = vector.broadcast %add3A_196 : i32 to vector<16xi32>
      %add3A_198 = arith.addi %and3A_53, %add3A_197 : vector<16xi32>
      %broadcast_in_dim3A_199 = vector.shape_cast %add3A_198 : vector<16xi32> to vector<16x1xi32>
      %gather3A_200 = vector.shape_cast %broadcast_in_dim3A_199 : vector<16x1xi32> to vector<16xi32>
      %gather3A_201 = tpu.dynamic_gather %get3A_188[%gather3A_200] in [0] : vector<16xf32>, vector<16xi32> -> vector<16xf32>
      %add3A_202 = arith.constant 1 : i32
      %add3A_203 = vector.broadcast %add3A_202 : i32 to vector<16xi32>
      %add3A_204 = arith.addi %and3A_53, %add3A_203 : vector<16xi32>
      %broadcast_in_dim3A_205 = vector.shape_cast %add3A_204 : vector<16xi32> to vector<16x1xi32>
      %gather3A_206 = vector.shape_cast %broadcast_in_dim3A_205 : vector<16x1xi32> to vector<16xi32>
      %gather3A_207 = tpu.dynamic_gather %get3A_179[%gather3A_206] in [0] : vector<16xf32>, vector<16xi32> -> vector<16xf32>
      %select_n3A_208 = arith.select %ge3A_55, %gather3A_201, %gather3A_207 : vector<16xi1>, vector<16xf32>
      %add3A_209 = arith.addf %select_n3A_195, %select_n3A_208 : vector<16xf32>
      %mul3A_210 = arith.constant 5.000000e-01 : f32
      %mul3A_211 = vector.broadcast %mul3A_210 : f32 to vector<16xf32>
      %mul3A_212 = arith.mulf %add3A_209, %mul3A_211 : vector<16xf32>
      %mul3A_213 = arith.constant 16 : i32
      %mul3A_214 = arith.muli %mul3A_213, %add3A_81 : i32
      %swap3A_215 = arith.constant 2 : i32
      %swap3A_216 = arith.index_cast %swap3A_215 : i32 to index
      %swap3A_217 = arith.index_cast %mul3A_214 : i32 to index
      %swap3A_218 = tpu.vector_load %arg14[%swap3A_216, %swap3A_217] {strides = array<i32>} : memref<3x5120xf32, #tpu.memory_space<vmem>>, vector<1x16xf32>,
      %swap3A_219 = vector.shape_cast %swap3A_218 : vector<1x16xf32> to vector<16xf32>
      %swap3A_220 = vector.shape_cast %mul3A_212 : vector<16xf32> to vector<1x16xf32>
      tpu.vector_store %arg14[%swap3A_216, %swap3A_217], %swap3A_220 {strides = array<i32>} : memref<3x5120xf32, #tpu.memory_space<vmem>>, vector<1x16xf32>,
    }
    %scan3A_62 = arith.constant 320 : i32
    "tpu.region"() ({
      %run_scoped3A = tpu.sem_alloc : memref<!tpu.dma_semaphore, #tpu.memory_space<semaphore_mem>>
      %dma_start3A_77 = arith.constant 0 : i32
      %dma_start3A_78 = tpu.memref_slice %arg6[%dma_start3A_77, %multiple_of3A_48] : memref<3x160000xf32, #tpu.memory_space<hbm>> -> memref<3x5120xf32, #tpu.memory_space<hbm>>
      %dma_start3A_79 = arith.constant 0 : i32
      %dma_start3A_80 = tpu.memref_slice %arg6[%dma_start3A_79, %multiple_of3A_48] : memref<3x160000xf32, #tpu.memory_space<hbm>> -> memref<3x5120xf32, #tpu.memory_space<hbm>>
      tpu.enqueue_dma source(%arg14 : memref<3x5120xf32, #tpu.memory_space<vmem>>) target(%dma_start3A_80 : memref<3x5120xf32, #tpu.memory_space<hbm>>) target_semaphore(%run_scoped3A : memref<!tpu.dma_semaphore, #tpu.memory_space<semaphore_mem>>)
      %dma_wait3A_81 = arith.constant 0 : i32
      %dma_wait3A_82 = tpu.memref_slice %arg6[%dma_wait3A_81, %multiple_of3A_48] : memref<3x160000xf32, #tpu.memory_space<hbm>> -> memref<3x5120xf32, #tpu.memory_space<hbm>>
      %dma_wait3A_83 = arith.constant 0 : i32
      %dma_wait3A_84 = tpu.memref_slice %arg6[%dma_wait3A_83, %multiple_of3A_48] : memref<3x160000xf32, #tpu.memory_space<hbm>> -> memref<3x5120xf32, #tpu.memory_space<hbm>>
      tpu.wait_dma2 semaphore(%run_scoped3A : memref<!tpu.dma_semaphore, #tpu.memory_space<semaphore_mem>>) src(%arg14 : memref<3x5120xf32, #tpu.memory_space<vmem>>) dst(%dma_wait3A_84 : memref<3x5120xf32, #tpu.memory_space<hbm>>)
      tpu.yield
    }) : () -> ()
    %shift_right_logical3A_63 = arith.constant 1 : i32
    %shift_right_logical3A_64 = vector.broadcast %shift_right_logical3A_63 : i32 to vector<16xi32>
    %shift_right_logical3A_65 = arith.shrui %iota3A, %shift_right_logical3A_64 : vector<16xi32>
    %mul3A_66 = arith.constant 5000 : i32
    %mul3A_67 = arith.muli %add3A, %mul3A_66 : i32
    %scan3A_68 = arith.constant 0 : i32
    %scan3A_69 = arith.constant 625 : i32
    %scan3A_70 = arith.addi %scan3A_68, %scan3A_69 : i32
    %scan3A_71 = arith.constant 1 : i32
    scf.for %scan3A_77 = %scan3A_68 to %scan3A_70 step %scan3A_71  : i32 {
      %mul3A_78 = arith.constant 1 : i32
      %mul3A_79 = arith.muli %scan3A_77, %mul3A_78 : i32
      %add3A_80 = arith.constant 0 : i32
      %add3A_81 = arith.addi %add3A_80, %mul3A_79 : i32
      %mul3A_82 = arith.constant 8 : i32
      %mul3A_83 = arith.muli %add3A_81, %mul3A_82 : i32
      %add3A_84 = arith.addi %mul3A_67, %mul3A_83 : i32
      %add3A_85 = vector.broadcast %add3A_84 : i32 to vector<16xi32>
      %add3A_86 = arith.addi %add3A_85, %shift_right_logical3A_65 : vector<16xi32>
      %mul3A_87 = arith.constant 16 : i32
      %mul3A_88 = arith.muli %add3A_81, %mul3A_87 : i32
      %swap3A = arith.index_cast %mul3A_88 : i32 to index
      %swap3A_89 = tpu.vector_load %arg15[%swap3A] {strides = array<i32>} : memref<10000xi32, #tpu.memory_space<vmem>>, vector<16xi32>,
      %swap3A_90 = vector.shape_cast %swap3A_89 : vector<16xi32> to vector<16xi32>
      %swap3A_91 = vector.shape_cast %add3A_86 : vector<16xi32> to vector<16xi32>
      tpu.vector_store %arg15[%swap3A], %swap3A_91 {strides = array<i32>} : memref<10000xi32, #tpu.memory_space<vmem>>, vector<16xi32>,
    }
    %scan3A_72 = arith.constant 625 : i32
    %mul3A_73 = arith.constant 10000 : i32
    %mul3A_74 = arith.muli %add3A, %mul3A_73 : i32
    "tpu.region"() ({
      %run_scoped3A = tpu.sem_alloc : memref<!tpu.dma_semaphore, #tpu.memory_space<semaphore_mem>>
      %dma_start3A_77 = tpu.memref_slice %arg8[%mul3A_74] : memref<320000xi32, #tpu.memory_space<hbm>> -> memref<10000xi32, #tpu.memory_space<hbm>>
      %dma_start3A_78 = tpu.memref_slice %arg8[%mul3A_74] : memref<320000xi32, #tpu.memory_space<hbm>> -> memref<10000xi32, #tpu.memory_space<hbm>>
      tpu.enqueue_dma source(%arg15 : memref<10000xi32, #tpu.memory_space<vmem>>) target(%dma_start3A_78 : memref<10000xi32, #tpu.memory_space<hbm>>) target_semaphore(%run_scoped3A : memref<!tpu.dma_semaphore, #tpu.memory_space<semaphore_mem>>)
      %dma_wait3A_79 = tpu.memref_slice %arg8[%mul3A_74] : memref<320000xi32, #tpu.memory_space<hbm>> -> memref<10000xi32, #tpu.memory_space<hbm>>
      %dma_wait3A_80 = tpu.memref_slice %arg8[%mul3A_74] : memref<320000xi32, #tpu.memory_space<hbm>> -> memref<10000xi32, #tpu.memory_space<hbm>>
      tpu.wait_dma2 semaphore(%run_scoped3A : memref<!tpu.dma_semaphore, #tpu.memory_space<semaphore_mem>>) src(%arg15 : memref<10000xi32, #tpu.memory_space<vmem>>) dst(%dma_wait3A_80 : memref<10000xi32, #tpu.memory_space<hbm>>)
      tpu.yield
    }) : () -> ()
    %eq3A = arith.constant 0 : i32
    %eq3A_75 = arith.cmpi eq, %add3A, %eq3A : i32
    %convert_element_type3A = arith.extui %eq3A_75 : i1 to i32
    %cond3A = arith.constant 0 : i32
    %cond3A_76 = arith.cmpi ne, %convert_element_type3A, %cond3A : i32
    scf.if %cond3A_76 {
      "tpu.region"() ({
        %run_scoped3A = tpu.sem_alloc : memref<!tpu.dma_semaphore, #tpu.memory_space<semaphore_mem>>
        tpu.enqueue_dma source(%arg4 : memref<16xi32, #tpu.memory_space<hbm>>) target(%arg16 : memref<16xi32, #tpu.memory_space<vmem>>) target_semaphore(%run_scoped3A : memref<!tpu.dma_semaphore, #tpu.memory_space<semaphore_mem>>)
        tpu.wait_dma2 semaphore(%run_scoped3A : memref<!tpu.dma_semaphore, #tpu.memory_space<semaphore_mem>>) src(%arg4 : memref<16xi32, #tpu.memory_space<hbm>>) dst(%arg16 : memref<16xi32, #tpu.memory_space<vmem>>)
        tpu.yield
      }) : () -> ()
      %get3A = arith.constant 0 : index
      %get3A_77 = tpu.vector_load %arg16[%get3A] {strides = array<i32>} : memref<16xi32, #tpu.memory_space<vmem>>, vector<16xi32>,
      %get3A_78 = vector.shape_cast %get3A_77 : vector<16xi32> to vector<16xi32>
      %add3A_79 = arith.constant 1 : i32
      %add3A_80 = vector.broadcast %add3A_79 : i32 to vector<16xi32>
      %add3A_81 = arith.addi %get3A_78, %add3A_80 : vector<16xi32>
      %shift_right_logical3A_82 = arith.constant 1 : i32
      %shift_right_logical3A_83 = vector.broadcast %shift_right_logical3A_82 : i32 to vector<16xi32>
      %shift_right_logical3A_84 = arith.shrui %add3A_81, %shift_right_logical3A_83 : vector<16xi32>
      %swap3A = arith.constant 0 : index
      %swap3A_85 = tpu.vector_load %arg16[%swap3A] {strides = array<i32>} : memref<16xi32, #tpu.memory_space<vmem>>, vector<16xi32>,
      %swap3A_86 = vector.shape_cast %swap3A_85 : vector<16xi32> to vector<16xi32>
      %swap3A_87 = vector.shape_cast %shift_right_logical3A_84 : vector<16xi32> to vector<16xi32>
      tpu.vector_store %arg16[%swap3A], %swap3A_87 {strides = array<i32>} : memref<16xi32, #tpu.memory_space<vmem>>, vector<16xi32>,
      "tpu.region"() ({
        %run_scoped3A = tpu.sem_alloc : memref<!tpu.dma_semaphore, #tpu.memory_space<semaphore_mem>>
        tpu.enqueue_dma source(%arg16 : memref<16xi32, #tpu.memory_space<vmem>>) target(%arg7 : memref<16xi32, #tpu.memory_space<hbm>>) target_semaphore(%run_scoped3A : memref<!tpu.dma_semaphore, #tpu.memory_space<semaphore_mem>>)
        tpu.wait_dma2 semaphore(%run_scoped3A : memref<!tpu.dma_semaphore, #tpu.memory_space<semaphore_mem>>) src(%arg16 : memref<16xi32, #tpu.memory_space<vmem>>) dst(%arg7 : memref<16xi32, #tpu.memory_space<hbm>>)
        tpu.yield
      }) : () -> ()
    } else {
    }
    return
  }
}

</mosaic_0001>

<sc_bundles>
// kernel: kernel.3.cloned.1.call-start
scs
__scs_entry_jumppad:
0x0: {  	(pc) =	sbr.rel $0x88, $3  }
0x1: {  	(tag) =	ssettag $0x0;
	lr =	simm.s32 $0x1  }
0x2: {  	[smem:$0x3F9E] =	sst lr;
	_ =	strace $0xD0000000  }
0x3: {  	_ = 	snop  }
0x4: {  	_ = 	snop  }
0x5: {  	_ = 	snop  }
0x6: {  	_ = 	snop  }
0x7: {  	_ = 	snop  }
__scs_overlays_trampoline_lowered:
0x8: {  	[smem:$0x3FAD] =	sst s0  }
0x9: {  	[smem:$0x3FAE] =	sst s1  }
0xa: {  	[smem:$0x3FAF] =	sst s2  }
0xb: {  	[smem:$0x3FB0] =	sst s3  }
0xc: {  	[smem:$0x3FB1] =	sst s4  }
0xd: {  	[smem:$0x3FB2] =	sst s5  }
0xe: {  	[smem:$0x3FB3] =	sst s6  }
0xf: {  	[smem:$0x3FB4] =	sst s7  }
0x10: {  	[smem:$0x3FB5] =	sst s8  }
0x11: {  	[smem:$0x3FB6] =	sst s9;
	s0 =	simm.s32 @!p0 $0x0  }
0x12: {  	s1 =	sld [smem:$0x3F9C];
	s0 =	simm.s32 @p0 $0x1  }
0x13: {  	[smem:$0x3FB7] =	sst s0;
	s0 =	simm.s32 @!p1 $0x0  }
0x14: {  	s2 =	sld [smem:$0x3F9B];
	s0 =	simm.s32 @p1 $0x1  }
0x15: {  	[smem:$0x3FB8] =	sst s0;
	s0 =	simm.s32 @!p2 $0x0  }
0x16: {  	s3 =	sld [smem:$0x3FDB];
	s0 =	simm.s32 @p2 $0x1  }
0x17: {  	s4 =	simm.s32 $0x1BF5;
	[smem:$0x3FBA] =	sst s0  }
0x18: {  	s0 =	sld [smem:$0x3F9D];
	_ =	swait.ge [sflag:s4], $0x0  }
0x19: {  	s7 =	sld [smem:$0x3F9E]  }
0x1a: {  	s8 =	sadd.s32 $0xFFFFE003, lr  }
0x1b: {  	s9 =	sadd.s32 $0xFFFFFEF7, lr;
	s5 =	simm.s32 $0xFFFFFFFF;
	p2 =	slt.u32 s8, $0xFFFFF086  }
0x1c: {  	p1 =	slt.u32 s9, $0xF7A;
	s5 =	simm.s32 @!p2 $0x0  }
0x1d: {  	s5 =	simm.s32 @p1 $0x1;
	p0 =	seq.s32 s7, s2  }
0x1e: {  	s7 =	smul.u32 @!p0 $0xF7A, s2;
	p2 =	seq.s32 @!p0 s5, $0x0  }
0x1f: {  	s9 =	smul.u32 $0xF7A, s1;
	s8 =	simm.s32 @!p0 $0x1BF5;
	p2 =	por !p2, p0  }
0x20: {  	[sflag:s8] =	ssyncset.s32 @!p0 $0xFFFFF086;
	s6 =	sadd.s32 @!p0 s3, s7;
	s7 =	simm.s32 @!p0 $0x108  }
0x21: {  	s3 =	sadd.s32 s3, s9;
	s6 =	sadd.s32 @!p0 $0x88, s6;
	s7 =	simm.s32 @p2 $0x1082  }
0x22: {  	[simem:s7], [sflag:s8] =	dma.local @!p0 [hbm:s6], $0xF7A  }
0x23: {  	s9 =	sor.u32 $0xD0000000, s2;
	s6 =	simm.s32 $0x108;
	_ =	swait.ge @!p0 [sflag:s8], $0x0  }
0x24: {  	s3 =	sadd.s32 $0x88, s3;
	s6 =	simm.s32 @!p1 $0x1082;
	[sflag:s4] =	ssyncset.s32 $0xFFFFF086  }
0x25: {  	[simem:s6], [sflag:s4] =	dma.local [hbm:s3], $0xF7A  }
0x26: {  	[smem:$0x3F9E] =	sst s1;
	(tag) =	ssettag s2;
	_ =	strace s9  }
0x27: {  	s1 =	sld [smem:$0x3FAE]  }
0x28: {  	s2 =	sld [smem:$0x3FAF]  }
0x29: {  	s4 =	sld [smem:$0x3FB1]  }
0x2a: {  	p0 =	seq.s32 s5, $0x0;
	s5 =	sld [smem:$0x3FB2]  }
0x2b: {  	s6 =	sld [smem:$0x3FB3]  }
0x2c: {  	s7 =	sld [smem:$0x3FB4]  }
0x2d: {  	s3 =	simm.s32 $0x108;
	s8 =	sld [smem:$0x3FB5]  }
0x2e: {  	s3 =	simm.s32 @!p0 $0x1082;
	s9 =	sld [smem:$0x3FB6]  }
0x2f: {  	lr =	sadd.s32 s0, s3;
	s0 =	sld [smem:$0x3FAD]  }
0x30: {  	s3 =	sld [smem:$0x3FB0]  }
0x31: {  	[smem:$0x3FB9] =	sst s10  }
0x32: {  	s10 =	sld [smem:$0x3FB7];
	_ =	sdelay $0x3  }
0x33: {  	p0 =	seq.s32 s10, $0x1;
	s10 =	sld [smem:$0x3FB9];
	_ =	sdelay $0x3  }
0x34: {  	[smem:$0x3FB9] =	sst s10  }
0x35: {  	s10 =	sld [smem:$0x3FB8];
	_ =	sdelay $0x3  }
0x36: {  	p1 =	seq.s32 s10, $0x1;
	s10 =	sld [smem:$0x3FB9];
	_ =	sdelay $0x3  }
0x37: {  	[smem:$0x3FB9] =	sst s10  }
0x38: {  	s10 =	sld [smem:$0x3FBA]  }
0x39: {  	_ = 	snop;
	(pc) =	sbr.ind lr, $3  }
0x3a: {  	_ = 	snop  }
0x3b: {  	_ = 	snop  }
0x3c: {  	p2 =	seq.s32 s10, $0x1;
	s10 =	sld [smem:$0x3FB9]  }
0x3d: {  	_ =	shalt  }
0x3e: {  	_ =	shalt  }
0x3f: {  	_ =	shalt  }
0x40: {  	_ =	shalt  }
0x41: {  	_ =	shalt  }
0x42: {  	_ =	shalt  }
0x43: {  	_ =	shalt  }
0x44: {  	_ =	shalt  }
0x45: {  	_ =	shalt  }
0x46: {  	_ =	shalt  }
0x47: {  	_ =	shalt  }
0x48: {  	_ =	shalt  }
0x49: {  	_ =	shalt  }
0x4a: {  	_ =	shalt  }
0x4b: {  	_ =	shalt  }
0x4c: {  	_ =	shalt  }
0x4d: {  	_ =	shalt  }
0x4e: {  	_ =	shalt  }
0x4f: {  	_ =	shalt  }
0x50: {  	_ =	shalt  }
0x51: {  	_ =	shalt  }
0x52: {  	_ =	shalt  }
0x53: {  	_ =	shalt  }
0x54: {  	_ =	shalt  }
0x55: {  	_ =	shalt  }
0x56: {  	_ =	shalt  }
0x57: {  	_ =	shalt  }
0x58: {  	_ =	shalt  }
0x59: {  	_ =	shalt  }
0x5a: {  	_ =	shalt  }
0x5b: {  	_ =	shalt  }
0x5c: {  	_ =	shalt  }
0x5d: {  	_ =	shalt  }
0x5e: {  	_ =	shalt  }
0x5f: {  	_ =	shalt  }
0x60: {  	_ =	shalt  }
0x61: {  	_ =	shalt  }
0x62: {  	_ =	shalt  }
0x63: {  	_ =	shalt  }
0x64: {  	_ =	shalt  }
0x65: {  	_ =	shalt  }
0x66: {  	_ =	shalt  }
0x67: {  	_ =	shalt  }
0x68: {  	_ =	shalt  }
0x69: {  	_ =	shalt  }
0x6a: {  	_ =	shalt  }
0x6b: {  	_ =	shalt  }
0x6c: {  	_ =	shalt  }
0x6d: {  	_ =	shalt  }
0x6e: {  	_ =	shalt  }
0x6f: {  	_ =	shalt  }
0x70: {  	_ =	shalt  }
0x71: {  	_ =	shalt  }
0x72: {  	_ =	shalt  }
0x73: {  	_ =	shalt  }
0x74: {  	_ =	shalt  }
0x75: {  	_ =	shalt  }
0x76: {  	_ =	shalt  }
0x77: {  	_ =	shalt  }
0x78: {  	_ =	shalt  }
0x79: {  	_ =	shalt  }
0x7a: {  	_ =	shalt  }
0x7b: {  	_ =	shalt  }
0x7c: {  	_ =	shalt  }
0x7d: {  	_ =	shalt  }
0x7e: {  	_ =	shalt  }
0x7f: {  	_ =	shalt  }
0x80: {  	_ =	shalt  }
0x81: {  	_ =	shalt  }
0x82: {  	_ =	shalt  }
0x83: {  	_ =	shalt  }
0x84: {  	_ =	shalt  }
0x85: {  	_ =	shalt  }
0x86: {  	_ =	shalt  }
0x87: {  	_ =	shalt  }
.Lfunc_end0:
.L_simem_size_0:
called_computation_lowered:
.L_overlay_start_0:
0x88: {  	s2 =	sld [smem:$0x3FD9]  }
0x89: {  	s3 =	sld [smem:$0x3FFE];
	_ =	sdelay $0x1  }
0x8a: {  	s1 =	srdreg.scid  }
0x8b: {  	s0 =	sand.u32 $0x1, s1  }
0x8c: {  	s15 =	sshll.u32 s0, $0xA;
	s2 =	sadd.s32 s3, s2  }
0x8d: {  	s2 =	sadd.s32 s2, s15  }
0x8e: {  	[smem:$0x3FC5] =	sst s2  }
0x8f: {  	_ = 	snop  }
0x90: {  	s2 =	sld [smem:$0x3FD0]  }
0x91: {  	s16 =	sld [smem:$0x3FC9]  }
0x92: {  	s4 =	sld [smem:$0x3FC8]  }
0x93: {  	s6 =	simm.s32 $0xA;
	s7 =	simm.s32 $0x10;
	s5 =	sld [smem:$0x3FC7]  }
0x94: {  	[smem:s7], [sflag:s6] =	dma.local [hbm:s2], $0x1  }
0x95: {  	_ =	swait.eq [sflag:s6], $0x1  }
0x96: {  	s17 =	sld [smem:$0x10]  }
0x97: {  	s18 =	sld [smem:$0x11];
	[sflag:s6] =	ssyncset.done $0x0  }
0x98: {  	s8 =	sld [smem:$0x12];
	[sflag:s6] =	ssyncadd.s32 $0xFFFFFFFF  }
0x99: {  	s19 =	sld [smem:$0x13];
	(tm) =	ssettm $0x1  }
0x9a: {  	s9 =	sld [smem:$0x3FFB];
	_ =	sdelay $0x3  }
0x9b: {  	_ =	strace s9  }
0x9c: {  	s9 =	sld [smem:$0x3FFC];
	_ =	sdelay $0x3  }
0x9d: {  	_ =	strace s9  }
0x9e: {  	s9 =	sld [smem:$0x3FFD];
	_ =	sdelay $0x3  }
0x9f: {  	_ =	strace s9  }
0xa0: {  	_ =	strace $0x8FFFFFFF  }
0xa1: {  	s20 =	sld [smem:$0x3FDB];
	_ =	sdelay $0x1  }
0xa2: {  	s10 =	simm.s32 $_scs_section_size  }
0xa3: {  	s11 =	simm.s32 $_size__tile_overlayer_lowered;
	s12 =	simm.s32 $_tile_overlayer_lowered  }
0xa4: {  	s23 =	simm.s32 $0x1BFF;
	s22 =	sshll.u32 s12, $0x1;
	s9 =	sadd.s32 s10, s20  }
0xa5: {  	s13 =	simm.s32 $0x0;
	s21 =	sshll.u32 s11, $0x1;
	s11 =	sadd.s32 s22, s9  }
0xa6: {  	[timem:s13], [sflag:s23] =	dma.local [hbm:s11], s21  }
0xa7: {  	_ =	swait.ge [sflag:s23], s21  }
0xa8: {  	s10 =	ssub.s32 $0x0, s21;
	[sflag:s23] =	ssyncset.done $0x0  }
0xa9: {  	[sflag:s23] =	ssyncadd.s32 s10;
	_ =	sdelay $0x1  }
0xaa: {  	s24 =	simm.s32 $0x1B8B  }
0xab: {  	_ =	swait.ge [sflag:s24], $0x1  }
0xac: {  	[sflag:s24] =	ssyncset.done $0x0  }
0xad: {  	s25 =	simm.s32 $0x1B8E;
	[sflag:s24] =	ssyncadd.s32 $0xFFFFFFFF  }
0xae: {  	s26 =	simm.s32 $execute0_lowered;
	[smem:$0x3FD2] =	sst s25  }
0xaf: {  	s10 =	sshll.u32 s26, $0x1;
	_ =	strace $0x80000046;
	[dreg:$0x1] =	wrdreg $0xFFFFFFFF  }
0xb0: {  	s28 =	simm.s32 $_size_execute0_lowered;
	s9 =	sadd.s32 s9, s10;
	[dreg:$0x0] =	wrdreg $0x0  }
0xb1: {  	s10 =	sshll.u32 s28, $0x1;
	[dreg:$0x2] =	wrdreg s9  }
0xb2: {  	[dreg:$0x3] =	wrdreg s10  }
0xb3: {  	[dreg:$0x4] =	wrdreg $0xC0  }
0xb4: {  	_ =	task [dreg:s13], $0x5FFFF  }
0xb5: {  	[dreg:$0x1] =	wrdreg $0xFFFFFFFF  }
0xb6: {  	[dreg:$0x0] =	wrdreg $0x60  }
0xb7: {  	[dreg:$0x2] =	wrdreg s4  }
0xb8: {  	[dreg:$0x3] =	wrdreg s16  }
0xb9: {  	[dreg:$0x4] =	wrdreg s5  }
0xba: {  	[dreg:$0x5] =	wrdreg s17  }
0xbb: {  	[dreg:$0x6] =	wrdreg s18  }
0xbc: {  	[dreg:$0x7] =	wrdreg s8  }
0xbd: {  	[dreg:$0x8] =	wrdreg s19  }
0xbe: {  	[dreg:$0x9] =	wrdreg $0x9  }
0xbf: {  	_ =	task.clear_ibuf [dreg:s13], $0xAFFFF;
	_ =	strace $0x90000046  }
0xc0: {  	s29 =	simm.s32 $0x9;
	_ =	strace $0x80000048  }
0xc1: {  	_ =	swait.ge [sflag:s29], $0x1  }
0xc2: {  	[sflag:s29] =	ssyncadd.s32 $0xFFFFFFFF  }
0xc3: {  	_ =	strace $0x90000048  }
0xc4: {  	_ =	sfence  }
0xc5: {  	s30 =	sld [smem:$0x0];
	_ =	sdelay $0x2  }
0xc6: {  	s31 =	sshll.u32 s1, $0xD;
	s1 =	sshrl.u32 s1, $0x2  }
0xc7: {  	s3 =	sand.u32 $0x4000, s31;
	s1 =	sadd.s32 s1, s30  }
0xc8: {  	s0 =	sor.u32 s3, s0;
	s1 =	sshll.u32 s1, $0x11  }
0xc9: {  	s0 =	sor.u32 s1, s0  }
0xca: {  	s0 =	sadd.s32 $0x8F2B, s0  }
0xcb: {  	[sflag:s0] =	ssyncadd.remote.s32 $0x1  }
0xcc: {  	_ =	sfence.sel $0xFFFF  }
0xcd: {  	[dreg:$0x0] =	wrdreg $0xFFFFFFFF;
	(pc) =	sbr.abs _section_cstart, $3  }
0xce: {  	[dreg:$0x1] =	wrdreg $0xFFFFFFFF  }
0xcf: {  	_ =	task.clear_ibuf [dreg:s13], $0x2FFFF;
	_ =	strace $0x9FFFFFFF  }
0xd0: {  	(tm) =	ssettm $0x7FFFFFFF  }
0xd1: {  	_ =	shalt  }
tec
execute0_lowered:
.L_overlay_start_1:
0x0: {  	(tag) =	ssettag $0x1  }
0x1: {  	s0 =	rddreg [dreg:$0x0]  }
0x2: {  	s1 =	rddreg [dreg:$0x1]  }
0x3: {  	s3 =	rddreg [dreg:$0x3]  }
0x4: {  	s2 =	rddreg [dreg:$0x4]  }
0x5: {  	s4 =	srdreg.scid;
	s13 =	stileid.u32  }
0x6: {  	s5 =	rddreg [dreg:$0x6];
	s6 =	simm.s32 $0x0;
	s18 =	simm.s32 $0x1  }
0x7: {  	s19 =	simm.s32 $0x8000;
	s20 =	simm.s32 $0x2;
	s21 =	simm.s32 $0xA000  }
0x8: {  	s22 =	simm.s32 $0x3;
	s23 =	simm.s32 $0x4;
	s24 =	simm.s32 $0xC000  }
0x9: {  	s4 =	sand.u32 $0x1, s4;
	s7 =	sshll.u32 s13, $0x1;
	s16 =	smul.u32 $0x2710, s13  }
0xa: {  	s25 =	sor.u32 s4, s7;
	s9 =	ssub.s32 $0x2, s4;
	s4 =	smul.u32 $0x1388, s4  }
0xb: {  	s26 =	simm.s32 $0x16000;
	s28 =	simm.s32 $0x1B000;
	s8 =	smul.u32 $0x138800, s25  }
0xc: {  	s29 =	simm.s32 $0x0;
	[smem:$0x7FF] =	sst s6;
	s7 =	smul.u32 $0x2710, s25  }
0xd: {  	_ =	strace $0x80000047;
	s10 =	sshrl.u32 s9, $0x1;
	s11 =	smul.u32 $0x27100, s25  }
0xe: {  	s12 =	smul.u32 $0x1400, s25;
	p0 =	sne.s32 s25, $0x0;
	s25 =	simm.s32 $0x5  }
0xf: {  	v2 =	vlaneseq.u32;
	s15 =	ssub.s32 s9, s10;
	s16 =	sadd.s32 s4, s16;
	s8 =	sshrl.u32 s8, $0x3  }
0x10: {  	v0 =	vand.u32 $0x7, v2;
	s10 =	sadd.s32 $0x100, s7;
	s12 =	smin.u32 s12, $0x25D00;
	s14 =	sshrl.u32 s7, $0x3  }
0x11: {  	v0 =	vmul.u32 $0x2, v0;
	s15 =	smax.u32 s15, $0x1;
	s30 =	sadd.s32 s0, s8;
	s8 =	sadd.s32 s0, s11  }
0x12: {  	s11 =	sadd.s32 $0x180, s7;
	s31 =	sshrl.u32 s12, $0x1;
	s12 =	sadd.s32 s1, s12  }
0x13: {  	vm0 =	vmmov $0xff;
	v2 =	vshrl.u32 v2, $0x1;
	v1 =	vor.u32 $0x1, v0;
	s14 =	sadd.s32 s5, s14;
	s9 =	sadd.s32 $0x800, s30;
	s13 =	sadd.s32 s2, s31  }
.LBB2_1:
0x14: {  	[tilespmem:s6], [sflag:$0x1] =	stream.linear.gather [hbm4b:s8+s6], $0x4000, $0x38;
	[tilespmem:$0x1D800] =	vst v63  }
0x15: {  	s1 =	simm.s32 $0x4000;
	s30 =	simm.s32 $0x0  }
0x16: {  	[tilespmem:s1], [sflag:$0x2] =	stream.linear.gather [hbm4b:s9+s6], $0x4000, $0x38;
	[tilespmem:$0x1D800] =	vst v63  }
.LBB2_2:
0x17: {  	p1 =	seq.s32 s30, $0x0  }
0x18: {  	s1 =	simm.s32 @!p1 $0x3  }
0x19: {  	_ =	swait.ge @!p1 [sflag:s1], $0x2000  }
0x1a: {  	[sflag:s1] =	ssyncset.done @!p1 $0x0  }
0x1b: {  	[sflag:s1] =	ssyncadd.s32 @!p1 $0xFFFFE000  }
0x1c: {  	_ =	swait.ge [sflag:s18], $0x4000  }
0x1d: {  	[sflag:s18] =	ssyncset.done $0x0  }
0x1e: {  	s4 =	simm.s32 $0x80;
	[sflag:s18] =	ssyncadd.s32 $0xFFFFC000  }
0x1f: {  	v3 =	vld [tilespmem:s4+$0xFFFFFF80]  }
0x20: {  	v4 =	vld [tilespmem:s4+$0x0];
	_ =	sdelay $0x4  }
0x21: {  	s2 =	simm.s32 $0x0;
	v3 =	vmax.f32 v3, v4  }
0x22: {  	[tilespmem:s2+$0x8000] =	vst v3  }
0x23: {  	v3 =	vld [tilespmem:s4+$0xFFFFFF90]  }
0x24: {  	v58 =	vld [tilespmem:s4+$0x10];
	_ =	sdelay $0x4  }
0x25: {  	v3 =	vmax.f32 v3, v58  }
0x26: {  	[tilespmem:s2+$0x8010] =	vst v3  }
0x27: {  	v3 =	vld [tilespmem:s4+$0xFFFFFFA0]  }
0x28: {  	v59 =	vld [tilespmem:s4+$0x20];
	_ =	sdelay $0x4  }
0x29: {  	v3 =	vmax.f32 v3, v59  }
0x2a: {  	[tilespmem:s2+$0x8020] =	vst v3  }
0x2b: {  	v3 =	vld [tilespmem:s4+$0xFFFFFFB0]  }
0x2c: {  	v60 =	vld [tilespmem:s4+$0x30];
	_ =	sdelay $0x4  }
0x2d: {  	v3 =	vmax.f32 v3, v60  }
0x2e: {  	[tilespmem:s2+$0x8030] =	vst v3  }
0x2f: {  	v3 =	vld [tilespmem:s4+$0xFFFFFFC0]  }
0x30: {  	v61 =	vld [tilespmem:s4+$0x40];
	_ =	sdelay $0x4  }
0x31: {  	v3 =	vmax.f32 v3, v61  }
0x32: {  	[tilespmem:s2+$0x8040] =	vst v3  }
0x33: {  	v3 =	vld [tilespmem:s4+$0xFFFFFFD0]  }
0x34: {  	v62 =	vld [tilespmem:s4+$0x50];
	_ =	sdelay $0x4  }
0x35: {  	v3 =	vmax.f32 v3, v62  }
0x36: {  	[tilespmem:s2+$0x8050] =	vst v3  }
0x37: {  	v3 =	vld [tilespmem:s4+$0xFFFFFFE0]  }
0x38: {  	v63 =	vld [tilespmem:s4+$0x60];
	_ =	sdelay $0x4  }
0x39: {  	v3 =	vmax.f32 v3, v63  }
0x3a: {  	s31 =	sshll.u32 s30, $0x8;
	s5 =	simm.s32 $0x80;
	s1 =	simm.s32 $0x200;
	[tilespmem:s2+$0x8060] =	vst v3  }
.LBB2_3:
0x3b: {  	p1 =	sne.s32 s1, $0x7E00  }
0x3c: {  	v3 =	vld [tilespmem:s4+$0xFFFFFFF0];
	s5 =	sadd.s32 $0x100, s5;
	s17 =	smov.u32 s1;
	s1 =	sadd.s32 $0x200, s1  }
0x3d: {  	v4 =	vld [tilespmem:s4+$0x70];
	s4 =	smov.u32 s5;
	_ =	sdelay $0x4  }
0x3e: {  	v3 =	vmax.f32 v3, v4  }
0x3f: {  	[tilespmem:s2+$0x8070] =	vst v3  }
0x40: {  	v3 =	vld [tilespmem:s5+$0xFFFFFF80]  }
0x41: {  	v4 =	vld [tilespmem:s5+$0x0];
	_ =	sdelay $0x4  }
0x42: {  	s2 =	sshra.s32 s17, $0x2;
	v3 =	vmax.f32 v3, v4  }
0x43: {  	[tilespmem:s2+$0x8000] =	vst v3  }
0x44: {  	v3 =	vld [tilespmem:s5+$0xFFFFFF90]  }
0x45: {  	v4 =	vld [tilespmem:s5+$0x10];
	_ =	sdelay $0x4  }
0x46: {  	v3 =	vmax.f32 v3, v4  }
0x47: {  	[tilespmem:s2+$0x8010] =	vst v3  }
0x48: {  	v3 =	vld [tilespmem:s5+$0xFFFFFFA0]  }
0x49: {  	v4 =	vld [tilespmem:s5+$0x20];
	_ =	sdelay $0x4  }
0x4a: {  	v3 =	vmax.f32 v3, v4  }
0x4b: {  	[tilespmem:s2+$0x8020] =	vst v3  }
0x4c: {  	v3 =	vld [tilespmem:s5+$0xFFFFFFB0]  }
0x4d: {  	v4 =	vld [tilespmem:s5+$0x30];
	_ =	sdelay $0x4  }
0x4e: {  	v3 =	vmax.f32 v3, v4  }
0x4f: {  	[tilespmem:s2+$0x8030] =	vst v3  }
0x50: {  	v3 =	vld [tilespmem:s5+$0xFFFFFFC0]  }
0x51: {  	v4 =	vld [tilespmem:s5+$0x40];
	_ =	sdelay $0x4  }
0x52: {  	v3 =	vmax.f32 v3, v4  }
0x53: {  	[tilespmem:s2+$0x8040] =	vst v3  }
0x54: {  	v3 =	vld [tilespmem:s5+$0xFFFFFFD0]  }
0x55: {  	v4 =	vld [tilespmem:s5+$0x50];
	_ =	sdelay $0x4  }
0x56: {  	v3 =	vmax.f32 v3, v4  }
0x57: {  	[tilespmem:s2+$0x8050] =	vst v3  }
0x58: {  	v3 =	vld [tilespmem:s5+$0xFFFFFFE0]  }
0x59: {  	v4 =	vld [tilespmem:s5+$0x60];
	_ =	sdelay $0x1  }
.Ltmp0:
0x5a: {  	(pc) =	sbr.rel @p1 .LBB2_3-.Ltmp0, $3  }
0x5b: {  	_ =	sdelay $0x1  }
0x5c: {  	v3 =	vmax.f32 v3, v4  }
0x5d: {  	[tilespmem:s2+$0x8060] =	vst v3  }
0x5e: {  	v3 =	vld [tilespmem:s4+$0xFFFFFFF0]  }
0x5f: {  	v4 =	vld [tilespmem:s4+$0x70];
	_ =	sdelay $0x2  }
0x60: {  	s1 =	smin.u32 s31, $0x2690  }
0x61: {  	s1 =	sadd.s32 s7, s1  }
0x62: {  	s1 =	sshll.u32 s1, $0x3;
	v3 =	vmax.f32 v3, v4  }
0x63: {  	p1 =	seq.s32 s30, $0x27;
	s1 =	sadd.s32 s3, s1;
	[tilespmem:s2+$0x8070] =	vst v3  }
0x64: {  	[hbm4b:s1+s6] =	stream.linear.scatter [tilespmem:s19], [sflag:$0x3], $0x2000, $0x38;
	[tilespmem:$0x1D800] =	vst v63  }
0x65: {  	s1 =	smin.u32 @!p1 s31, $0x2590  }
0x66: {  	s1 =	sadd.s32 @!p1 s1, s10  }
0x67: {  	p2 =	seq.s32 @!p1 s30, $0x0;
	s1 =	sshll.u32 @!p1 s1, $0x4  }
0x68: {  	p2 =	por p1, !p2;
	s2 =	simm.s32 @!p1 $0x0;
	s1 =	sadd.s32 @!p1 s0, s1  }
0x69: {  	[tilespmem:s2], [sflag:$0x1] =	stream.linear.gather @!p1 [hbm4b:s1+s2], $0x4000, $0x38;
	[tilespmem:$0x1D800] =	vst v63  }
0x6a: {  	_ =	swait.ge @p2 [sflag:s23], $0x2000  }
0x6b: {  	[sflag:s23] =	ssyncset.done @p2 $0x0  }
0x6c: {  	[sflag:s23] =	ssyncadd.s32 @p2 $0xFFFFE000  }
0x6d: {  	_ =	swait.ge [sflag:s20], $0x4000  }
0x6e: {  	[sflag:s20] =	ssyncset.done $0x0  }
0x6f: {  	s4 =	simm.s32 $0x4080;
	[sflag:s20] =	ssyncadd.s32 $0xFFFFC000  }
0x70: {  	v3 =	vld [tilespmem:s4+$0xFFFFFF80]  }
0x71: {  	v57 =	vld [tilespmem:s4+$0x0];
	_ =	sdelay $0x4  }
0x72: {  	s2 =	simm.s32 $0x0;
	v3 =	vmax.f32 v3, v57  }
0x73: {  	[tilespmem:s2+$0xA000] =	vst v3  }
0x74: {  	v3 =	vld [tilespmem:s4+$0xFFFFFF90]  }
0x75: {  	v58 =	vld [tilespmem:s4+$0x10];
	_ =	sdelay $0x4  }
0x76: {  	v3 =	vmax.f32 v3, v58  }
0x77: {  	[tilespmem:s2+$0xA010] =	vst v3  }
0x78: {  	v3 =	vld [tilespmem:s4+$0xFFFFFFA0]  }
0x79: {  	v59 =	vld [tilespmem:s4+$0x20];
	_ =	sdelay $0x4  }
0x7a: {  	v3 =	vmax.f32 v3, v59  }
0x7b: {  	[tilespmem:s2+$0xA020] =	vst v3  }
0x7c: {  	v3 =	vld [tilespmem:s4+$0xFFFFFFB0]  }
0x7d: {  	v60 =	vld [tilespmem:s4+$0x30];
	_ =	sdelay $0x4  }
0x7e: {  	v3 =	vmax.f32 v3, v60  }
0x7f: {  	[tilespmem:s2+$0xA030] =	vst v3  }
0x80: {  	v3 =	vld [tilespmem:s4+$0xFFFFFFC0]  }
0x81: {  	v61 =	vld [tilespmem:s4+$0x40];
	_ =	sdelay $0x4  }
0x82: {  	v3 =	vmax.f32 v3, v61  }
0x83: {  	[tilespmem:s2+$0xA040] =	vst v3  }
0x84: {  	v3 =	vld [tilespmem:s4+$0xFFFFFFD0]  }
0x85: {  	v62 =	vld [tilespmem:s4+$0x50];
	_ =	sdelay $0x4  }
0x86: {  	v3 =	vmax.f32 v3, v62  }
0x87: {  	[tilespmem:s2+$0xA050] =	vst v3  }
0x88: {  	v3 =	vld [tilespmem:s4+$0xFFFFFFE0]  }
0x89: {  	v63 =	vld [tilespmem:s4+$0x60];
	_ =	sdelay $0x4  }
0x8a: {  	v3 =	vmax.f32 v3, v63  }
0x8b: {  	s5 =	simm.s32 $0x4080;
	s30 =	sadd.s32 $0x1, s30;
	s1 =	simm.s32 $0x200;
	[tilespmem:s2+$0xA060] =	vst v3  }
.LBB2_5:
0x8c: {  	p2 =	sne.s32 s1, $0x7E00  }
0x8d: {  	v3 =	vld [tilespmem:s4+$0xFFFFFFF0];
	s5 =	sadd.s32 $0x100, s5;
	s17 =	smov.u32 s1;
	s1 =	sadd.s32 $0x200, s1  }
0x8e: {  	v4 =	vld [tilespmem:s4+$0x70];
	s4 =	smov.u32 s5;
	_ =	sdelay $0x4  }
0x8f: {  	v3 =	vmax.f32 v3, v4  }
0x90: {  	[tilespmem:s2+$0xA070] =	vst v3  }
0x91: {  	v3 =	vld [tilespmem:s5+$0xFFFFFF80]  }
0x92: {  	v4 =	vld [tilespmem:s5+$0x0];
	_ =	sdelay $0x4  }
0x93: {  	s2 =	sshra.s32 s17, $0x2;
	v3 =	vmax.f32 v3, v4  }
0x94: {  	[tilespmem:s2+$0xA000] =	vst v3  }
0x95: {  	v3 =	vld [tilespmem:s5+$0xFFFFFF90]  }
0x96: {  	v4 =	vld [tilespmem:s5+$0x10];
	_ =	sdelay $0x4  }
0x97: {  	v3 =	vmax.f32 v3, v4  }
0x98: {  	[tilespmem:s2+$0xA010] =	vst v3  }
0x99: {  	v3 =	vld [tilespmem:s5+$0xFFFFFFA0]  }
0x9a: {  	v4 =	vld [tilespmem:s5+$0x20];
	_ =	sdelay $0x4  }
0x9b: {  	v3 =	vmax.f32 v3, v4  }
0x9c: {  	[tilespmem:s2+$0xA020] =	vst v3  }
0x9d: {  	v3 =	vld [tilespmem:s5+$0xFFFFFFB0]  }
0x9e: {  	v4 =	vld [tilespmem:s5+$0x30];
	_ =	sdelay $0x4  }
0x9f: {  	v3 =	vmax.f32 v3, v4  }
0xa0: {  	[tilespmem:s2+$0xA030] =	vst v3  }
0xa1: {  	v3 =	vld [tilespmem:s5+$0xFFFFFFC0]  }
0xa2: {  	v4 =	vld [tilespmem:s5+$0x40];
	_ =	sdelay $0x4  }
0xa3: {  	v3 =	vmax.f32 v3, v4  }
0xa4: {  	[tilespmem:s2+$0xA040] =	vst v3  }
0xa5: {  	v3 =	vld [tilespmem:s5+$0xFFFFFFD0]  }
0xa6: {  	v4 =	vld [tilespmem:s5+$0x50];
	_ =	sdelay $0x4  }
0xa7: {  	v3 =	vmax.f32 v3, v4  }
0xa8: {  	[tilespmem:s2+$0xA050] =	vst v3  }
0xa9: {  	v3 =	vld [tilespmem:s5+$0xFFFFFFE0]  }
0xaa: {  	v4 =	vld [tilespmem:s5+$0x60];
	_ =	sdelay $0x1  }
.Ltmp1:
0xab: {  	(pc) =	sbr.rel @p2 .LBB2_5-.Ltmp1, $3  }
0xac: {  	_ =	sdelay $0x1  }
0xad: {  	v3 =	vmax.f32 v3, v4  }
0xae: {  	[tilespmem:s2+$0xA060] =	vst v3  }
0xaf: {  	v3 =	vld [tilespmem:s4+$0xFFFFFFF0]  }
0xb0: {  	v4 =	vld [tilespmem:s4+$0x70];
	_ =	sdelay $0x1  }
0xb1: {  	s1 =	sor.u32 $0x80, s31  }
0xb2: {  	s1 =	smin.u32 s1, $0x2690  }
0xb3: {  	s1 =	sadd.s32 s7, s1  }
0xb4: {  	s1 =	sshll.u32 s1, $0x3;
	v3 =	vmax.f32 v3, v4  }
0xb5: {  	s1 =	sadd.s32 s3, s1;
	[tilespmem:s2+$0xA070] =	vst v3  }
0xb6: {  	[hbm4b:s1+s6] =	stream.linear.scatter [tilespmem:s21], [sflag:$0x4], $0x2000, $0x38;
	[tilespmem:$0x1D800] =	vst v63  }
0xb7: {  	s1 =	smin.u32 @!p1 s31, $0x2510  }
0xb8: {  	s1 =	sadd.s32 @!p1 s1, s11  }
0xb9: {  	s4 =	simm.s32 @!p1 $0x4000;
	s1 =	sshll.u32 @!p1 s1, $0x4  }
0xba: {  	p2 =	sne.s32 @!p1 s30, $0x28;
	s2 =	simm.s32 @!p1 $0x0;
	s1 =	sadd.s32 @!p1 s0, s1  }
0xbb: {  	[tilespmem:s4], [sflag:$0x2] =	stream.linear.gather @!p1 [hbm4b:s1+s2], $0x4000, $0x38;
	[tilespmem:$0x1D800] =	vst v63  }
0xbc: {  	p1 =	por p1, !p2  }
.Ltmp2:
0xbd: {  	_ = 	snop;
	(pc) =	sbr.rel @!p1 .LBB2_2-.Ltmp2, $1  }
0xbe: {  	_ =	sdelay $0x3  }
0xbf: {  	_ =	swait.ge [sflag:s22], $0x2000  }
0xc0: {  	[sflag:s22] =	ssyncset.done $0x0  }
0xc1: {  	[sflag:s22] =	ssyncadd.s32 $0xFFFFE000  }
0xc2: {  	_ =	swait.ge [sflag:s23], $0x2000  }
0xc3: {  	[sflag:s23] =	ssyncset.done $0x0  }
0xc4: {  	s4 =	simm.s32 $0x0;
	[sflag:s23] =	ssyncadd.s32 $0xFFFFE000  }
0xc5: {  	[tilespmem:s24], [sflag:$0x5] =	stream.linear.gather [hbm4b:s12+s4], $0xA000, $0x38;
	[tilespmem:$0x1D800] =	vst v63  }
0xc6: {  	_ =	swait.ge [sflag:s25], $0xA000  }
0xc7: {  	s1 =	sand.u32 $0x60, s4;
	s2 =	sand.u32 $0xFE00, s4;
	[sflag:s25] =	ssyncset.done $0x0  }
0xc8: {  	s1 =	sor.u32 s1, s2;
	[sflag:s25] =	ssyncadd.s32 $0xFFFF6000  }
0xc9: {  	v3 =	vld [tilespmem:s1+$0xC000]  }
0xca: {  	v4 =	vld [tilespmem:s1+$0xC010];
	_ =	sdelay $0x3  }
0xcb: {  	v5 =	vperm.xlane v3, v0;
	v3 =	vperm.xlane v3, v1  }
0xcc: {  	v6 =	vperm.xlane v4, v0;
	v4 =	vperm.xlane v4, v1;
	_ =	sdelay $0x1  }
0xcd: {  	v5 =	vsel vm0, v5, v6;
	v3 =	vsel vm0, v3, v4  }
0xce: {  	v3 =	vadd.f32 v3, v5;
	_ =	sdelay $0x1  }
0xcf: {  	s31 =	sand.u32 $0x70, s4;
	s5 =	sand.u32 $0x7E00, s4;
	v3 =	vmul.f32 $5.000000000e-01, v3  }
0xd0: {  	s2 =	sor.u32 s31, s5  }
0xd1: {  	[tilespmem:s2+$0x16000] =	vst v3  }
0xd2: {  	v3 =	vld [tilespmem:s1+$0xC080]  }
0xd3: {  	v4 =	vld [tilespmem:s1+$0xC090];
	_ =	sdelay $0x3  }
0xd4: {  	v5 =	vperm.xlane v3, v0;
	v3 =	vperm.xlane v3, v1  }
0xd5: {  	v62 =	vperm.xlane v4, v0;
	v4 =	vperm.xlane v4, v1;
	_ =	sdelay $0x1  }
0xd6: {  	v5 =	vsel vm0, v5, v62;
	v3 =	vsel vm0, v3, v4  }
0xd7: {  	v3 =	vadd.f32 v3, v5;
	_ =	sdelay $0x1  }
0xd8: {  	v3 =	vmul.f32 $5.000000000e-01, v3  }
0xd9: {  	s30 =	sadd.s32 $0x16000, s2  }
0xda: {  	[tilespmem:s30+$0x80] =	vst v3  }
0xdb: {  	v3 =	vld [tilespmem:s1+$0xC100]  }
0xdc: {  	v4 =	vld [tilespmem:s1+$0xC110];
	_ =	sdelay $0x3  }
0xdd: {  	v5 =	vperm.xlane v3, v0;
	v3 =	vperm.xlane v3, v1  }
0xde: {  	v63 =	vperm.xlane v4, v0;
	v4 =	vperm.xlane v4, v1;
	_ =	sdelay $0x1  }
0xdf: {  	v5 =	vsel vm0, v5, v63;
	v3 =	vsel vm0, v3, v4  }
0xe0: {  	s5 =	simm.s32 $0x0;
	s2 =	simm.s32 $0x0;
	s1 =	simm.s32 $0x20;
	v3 =	vadd.f32 v3, v5  }
.LBB2_8:
0xe1: {  	s4 =	sadd.s32 $0x40, s4;
	s2 =	sadd.s32 $0x10, s2;
	s5 =	sadd.s32 $0x80, s5  }
0xe2: {  	p1 =	sne.s32 s1, $0x27E0;
	s17 =	smov.u32 s1;
	s1 =	sadd.s32 $0x20, s1;
	v3 =	vmul.f32 $5.000000000e-01, v3  }
0xe3: {  	s17 =	sand.u32 $0x60, s17;
	s31 =	sand.u32 $0xFE00, s5  }
0xe4: {  	s17 =	sor.u32 s17, s31;
	[tilespmem:s30+$0x100] =	vst v3  }
0xe5: {  	v3 =	vld [tilespmem:s17+$0xC000]  }
0xe6: {  	v4 =	vld [tilespmem:s17+$0xC010];
	_ =	sdelay $0x3  }
0xe7: {  	v5 =	vperm.xlane v3, v0;
	v3 =	vperm.xlane v3, v1  }
0xe8: {  	v6 =	vperm.xlane v4, v0;
	v4 =	vperm.xlane v4, v1;
	_ =	sdelay $0x1  }
0xe9: {  	v5 =	vsel vm0, v5, v6;
	v3 =	vsel vm0, v3, v4  }
0xea: {  	v3 =	vadd.f32 v3, v5  }
0xeb: {  	s31 =	sand.u32 $0x7E00, s4;
	s30 =	sand.u32 $0x70, s2  }
0xec: {  	s30 =	sor.u32 s30, s31;
	v3 =	vmul.f32 $5.000000000e-01, v3;
	_ =	sdelay $0x1  }
0xed: {  	[tilespmem:s30+$0x16000] =	vst v3  }
0xee: {  	v3 =	vld [tilespmem:s17+$0xC080]  }
0xef: {  	v4 =	vld [tilespmem:s17+$0xC090];
	_ =	sdelay $0x3  }
0xf0: {  	v5 =	vperm.xlane v3, v0;
	v3 =	vperm.xlane v3, v1  }
0xf1: {  	v6 =	vperm.xlane v4, v0;
	v4 =	vperm.xlane v4, v1;
	_ =	sdelay $0x1  }
0xf2: {  	v5 =	vsel vm0, v5, v6;
	v3 =	vsel vm0, v3, v4  }
0xf3: {  	v3 =	vadd.f32 v3, v5  }
0xf4: {  	s30 =	sadd.s32 $0x16000, s30  }
0xf5: {  	v3 =	vmul.f32 $5.000000000e-01, v3;
	_ =	sdelay $0x1  }
0xf6: {  	[tilespmem:s30+$0x80] =	vst v3  }
0xf7: {  	v3 =	vld [tilespmem:s17+$0xC100]  }
0xf8: {  	v4 =	vld [tilespmem:s17+$0xC110];
	_ =	sdelay $0x3  }
.Ltmp3:
0xf9: {  	v5 =	vperm.xlane v3, v0;
	v3 =	vperm.xlane v3, v1;
	(pc) =	sbr.rel @p1 .LBB2_8-.Ltmp3, $3  }
0xfa: {  	v6 =	vperm.xlane v4, v0;
	v4 =	vperm.xlane v4, v1;
	_ =	sdelay $0x1  }
0xfb: {  	v5 =	vsel vm0, v5, v6;
	v3 =	vsel vm0, v3, v4  }
0xfc: {  	v3 =	vadd.f32 v3, v5  }
0xfd: {  	_ = 	snop  }
0xfe: {  	v3 =	vmul.f32 $5.000000000e-01, v3;
	_ =	sdelay $0x1  }
0xff: {  	s1 =	simm.s32 $0x0;
	[tilespmem:s30+$0x100] =	vst v3  }
0x100: {  	[hbm4b:s13+s1] =	stream.linear.scatter [tilespmem:s26], [sflag:$0x5], $0x5000, $0x38;
	[tilespmem:$0x1D800] =	vst v63  }
0x101: {  	_ =	swait.ge [sflag:s25], $0x5000  }
0x102: {  	s4 =	simm.s32 $0x0;
	[sflag:s25] =	ssyncset.done $0x0  }
0x103: {  	s2 =	smov.u32 s16;
	v3 =	vor.u32 s16, v2;
	s1 =	simm.s32 $0x40;
	[sflag:s25] =	ssyncadd.s32 $0xFFFFB000  }
.LBB2_10:
0x104: {  	p1 =	sne.s32 s1, $0x9C00  }
0x105: {  	[tilespmem:s4+$0x1B000] =	vst v3;
	s2 =	sadd.s32 $0x8, s2;
	s4 =	smov.u32 s1;
	s1 =	sadd.s32 $0x40, s1  }
.Ltmp4:
0x106: {  	(pc) =	sbr.rel @p1 .LBB2_10-.Ltmp4, $2  }
0x107: {  	_ =	sdelay $0x2  }
0x108: {  	v3 =	vor.u32 s2, v2;
	s4 =	sshra.s32 s4, $0x2  }
0x109: {  	[tilespmem:s4+$0x1B000] =	vst v3  }
0x10a: {  	[hbm4b:s14+s6] =	stream.linear.scatter [tilespmem:s28], [sflag:$0x5], $0x2710, $0x38;
	[tilespmem:$0x1D800] =	vst v63  }
0x10b: {  	_ =	swait.ge [sflag:s25], $0x2710  }
0x10c: {  	[sflag:s25] =	ssyncset.done $0x0  }
0x10d: {  	[sflag:s25] =	ssyncadd.s32 $0xFFFFD8F0  }
0x10e: {  	s1 =	simm.s32 @!p0 $0x0;
	s2 =	simm.s32 @!p0 $0x1D780;
	s4 =	rddreg [dreg:$0x2]  }
0x10f: {  	[tilespmem:s2], [sflag:$0x5] =	stream.linear.gather @!p0 [hbm4b:s4+s1], $0x80, $0x38;
	[tilespmem:$0x1D800] =	vst v63  }
0x110: {  	s4 =	simm.s32 @!p0 $0x5  }
0x111: {  	_ =	swait.ge @!p0 [sflag:s4], $0x80  }
0x112: {  	[sflag:s4] =	ssyncset.done @!p0 $0x0  }
0x113: {  	[sflag:s4] =	ssyncadd.s32 @!p0 $0xFFFFFF80  }
0x114: {  	v3 =	vld @!p0 [tilespmem:$0x1D780];
	_ =	sdelay $0x4  }
0x115: {  	s29 =	sadd.s32 $0x1, s29;
	v3 =	vadd.s32 @!p0 $0x1, v3  }
0x116: {  	p1 =	sne.s32 s29, s15;
	v3 =	vshrl.u32 @!p0 v3, $0x1  }
.Ltmp5:
0x117: {  	s5 =	rddreg [dreg:$0x5];
	[tilespmem:$0x1D780] =	vst @!p0 v3;
	(pc) =	sbr.rel @p1 .LBB2_1-.Ltmp5, $4  }
0x118: {  	[hbm4b:s5+s1] =	stream.linear.scatter @!p0 [tilespmem:s2], [sflag:$0x5], $0x80, $0x38;
	[tilespmem:$0x1D800] =	vst v63  }
0x119: {  	_ =	swait.ge @!p0 [sflag:s4], $0x80  }
0x11a: {  	[sflag:s4] =	ssyncset.done @!p0 $0x0  }
0x11b: {  	[sflag:s4] =	ssyncadd.s32 @!p0 $0xFFFFFF80  }
0x11c: {  	_ =	sfence.sel $0x180000  }
0x11d: {  	[bflag:$0x0] =	sbarrier.arrive $0xFFFF  }
0x11e: {  	_ =	strace $0x90000047  }
0x11f: {  	s0 =	stileid.u32;
	[bflag:$0x2] =	sbarrier.arrive $0xFFFF  }
0x120: {  	p0 =	sne.s32 s0, $0x0;
	s0 =	rddreg [dreg:$0x7]  }
0x121: {  	s0 =	sadd.s32 @!p0 $0x100000, s0  }
0x122: {  	[sflag:s0] =	ssyncadd.tile.s32 @!p0 $0x1;
	_ =	shalt  }
.Lfunc_end2:
_tile_overlayer_lowered:
.L_overlay_start_2:
0x123: {  	(tag) =	ssettag $0x2  }
0x124: {  	s0 =	rddreg [dreg:$0x0];
	s2 =	stileid.u32  }
0x125: {  	s1 =	rddreg [dreg:$0x1];
	p0 =	sne.s32 s2, $0x0  }
0x126: {  	s3 =	rddreg [dreg:$0x2];
	[bflag:$0x3] =	sbarrier.arrive $0xFFFF;
	s2 =	simm.s32 @!p0 $0x1C05  }
0x127: {  	[timem:s3], [sflag:s2] =	dma.local @!p0 [hbm:s0], s1  }
0x128: {  	s0 =	simm.s32 @!p0 $0x5  }
0x129: {  	_ =	swait.ge @!p0 [sflag:s0], s1  }
0x12a: {  	s1 =	ssub.s32 @!p0 $0x0, s1;
	[sflag:s0] =	ssyncset.done @!p0 $0x0  }
0x12b: {  	[sflag:s0] =	ssyncadd.s32 @!p0 s1  }
0x12c: {  	[bflag:$0x3] =	sbarrier.arrive $0xFFFF  }
0x12d: {  	_ =	shalt  }

</sc_bundles>
